<compile_context>
chip_gen: v7x
topology: tpu7x:2x2x1
jax: 0.10.2.dev20260603
libtpu: 0.0.44.dev20260713+nightly
codegen_flags: <defaults>
</compile_context>

<pallas_src>
import functools

import jax
import jax.numpy as jnp
import numpy as np
from jax import lax
from jax.experimental import pallas as pl
from jax.experimental.pallas import tpu as pltpu
from jax.experimental.pallas import tpu_sc as plsc

NUM_TOKENS = 1000000
EMBED_DIM = 64
BATCH = 4096
SEQ = 200

NUM_CORES = 2
NUM_SUBCORES = 16
NUM_WORKERS = NUM_CORES * NUM_SUBCORES
BTILE = BATCH // NUM_WORKERS
NRING = 4
SCALE = 8.0


def _positional_encoding_np(max_len, d_model):
    position = np.arange(max_len, dtype=np.float32)[:, None]
    div_term = np.exp(
        np.arange(0, d_model, 2, dtype=np.float32) * (-np.log(10000.0) / d_model)
    )
    pe = np.zeros((max_len, d_model), dtype=np.float32)
    pe[:, 0::2] = np.sin(position * div_term)
    pe[:, 1::2] = np.cos(position * div_term)
    return pe


_PE = _positional_encoding_np(SEQ, EMBED_DIM)


def _sc_body(xT_hbm, table_hbm, pe_hbm, L_hbm,
             idx_all, pe_v, r0, r1, r2, r3, v0, v1, v2, v3,
             sg0, sg1, sg2, sg3, ss0, ss1, ss2, ss3):
    t = lax.axis_index("c") * NUM_SUBCORES + lax.axis_index("s")
    rbufs = (r0, r1, r2, r3)
    vbufs = (v0, v1, v2, v3)
    sgs = (sg0, sg1, sg2, sg3)
    sss = (ss0, ss1, ss2, ss3)

    pltpu.sync_copy(xT_hbm.at[:, pl.ds(t * BTILE, BTILE)], idx_all)
    pltpu.sync_copy(pe_hbm, pe_v)

    iota = lax.iota(jnp.int32, 16)
    g_idx = [(iota + 16 * k) // 8 for k in range(4)]
    r_idx = [(iota + 16 * k) % 8 for k in range(4)]

    for j in range(NRING):
        pltpu.async_copy(table_hbm.at[idx_all.at[j]], rbufs[j], sgs[j])

    def ring_step(i, carry):
        for j in range(NRING):
            s = NRING * i + j
            rb, vb, sg, ss = rbufs[j], vbufs[j], sgs[j], sss[j]
            pltpu.make_async_copy(table_hbm.at[idx_all.at[s]], rb, sg).wait()

            @pl.when(i > 0)
            def _():
                pltpu.make_async_copy(vb.at[:, :, pl.ds(0, BTILE)], L_hbm.at[s, :, t], ss).wait()

            pe_rows = tuple(pe_v[s, pl.ds(16 * k, 16)] for k in range(4))
            c0 = jnp.zeros((16,), jnp.int32)

            @plsc.parallel_loop(0, BTILE, step=1, unroll=4,
                                carry=(c0, pe_rows))
            def _compute(bb, carry2):
                c_splat, pes = carry2
                for k in range(4):
                    v = rb[bb, pl.ds(16 * k, 16)] * SCALE + pes[k]
                    plsc.store_scatter(vb, [g_idx[k], r_idx[k], c_splat], v)
                return (c_splat + 1, pes)
            pltpu.async_copy(vb.at[:, :, pl.ds(0, BTILE)], L_hbm.at[s, :, t], ss)

            @pl.when(s + NRING < SEQ)
            def _():
                pltpu.async_copy(table_hbm.at[idx_all.at[s + NRING]], rb, sg)
        return carry

    lax.fori_loop(0, SEQ // NRING, ring_step, 0)
    for j in range(NRING):
        pltpu.make_async_copy(vbufs[j].at[:, :, pl.ds(0, BTILE)], L_hbm.at[SEQ - NRING + j, :, t], sss[j]).wait()


_sc_embed = functools.partial(
    pl.kernel,
    out_type=jax.ShapeDtypeStruct((SEQ, 8, NUM_WORKERS, 8, BTILE), jnp.float32),
    mesh=plsc.VectorSubcoreMesh(core_axis_name="c", subcore_axis_name="s"),
    scratch_types=(
        [pltpu.VMEM((SEQ, BTILE), jnp.int32), pltpu.VMEM((SEQ, EMBED_DIM), jnp.float32)]
        + [pltpu.VMEM((BTILE, EMBED_DIM), jnp.float32) for _ in range(NRING)]
        + [pltpu.VMEM((8, 8, BTILE + 1), jnp.float32) for _ in range(NRING)]
        + [pltpu.SemaphoreType.DMA for _ in range(2 * NRING)]
    ),
    compiler_params=pltpu.CompilerParams(
        use_tc_tiling_on_sc=False, needs_layout_passes=False
    ),
)(_sc_body)


def kernel(x, emb_weight):
    xT = x.T
    pe = jnp.asarray(_PE)
    L = _sc_embed(xT, emb_weight, pe)
    return jnp.transpose(L, (2, 4, 0, 1, 3)).reshape(BATCH, SEQ, EMBED_DIM)

# --- scband reference (transcript-rebuilt; emitter-appended) ---
"""Pipeline reference for scband-encoder-layer-60765197304365 (READ-ONLY COPY).

The authoritative reference and input builder live on the scoring server;
editing this copy changes nothing except your own understanding.
"""

import jax, jax.numpy as jnp
import numpy as np

NUM_TOKENS = 1000000
EMBED_DIM = 64
MAX_LEN = 512
BATCH = 4096
SEQ = 200


def _positional_encoding(max_len, d_model):
    # Standard sinusoidal positional encoding (PyTorch tutorial PositionalEncoding buffer)
    position = np.arange(max_len, dtype=np.float32)[:, None]
    div_term = np.exp(np.arange(0, d_model, 2, dtype=np.float32) * (-np.log(10000.0) / d_model))
    pe = np.zeros((max_len, d_model), dtype=np.float32)
    pe[:, 0::2] = np.sin(position * div_term)
    pe[:, 1::2] = np.cos(position * div_term)
    return jnp.asarray(pe)


def setup_inputs(seed: int = 0) -> dict:
    key = jax.random.key(seed)
    k1, k2 = jax.random.split(key)
    x = jax.random.randint(k1, (BATCH, SEQ), 0, NUM_TOKENS, dtype=jnp.int32)
    # Learned embedding table (nn.Embedding(num_tokens, embedding_size))
    emb_weight = jax.random.normal(k2, (NUM_TOKENS, EMBED_DIM), dtype=jnp.float32)
    return {"x": x, "emb_weight": emb_weight}


def reference(x, emb_weight):
    # x = self.embedding(x) * sqrt(embedding_size)
    h = jnp.take(emb_weight, x, axis=0) * jnp.sqrt(jnp.float32(EMBED_DIM))
    # x = self.pos_encoder(x): add sinusoidal PE over the sequence dim; dropout is
    # identity in eval mode.
    pe = _positional_encoding(MAX_LEN, EMBED_DIM)
    h = h + pe[None, : h.shape[1], :]
    return h

if __name__ == "__main__":
    import jax
    _d = setup_inputs()
    print(jax.jit(kernel)(*tuple(_d.values())))

</pallas_src>

<mosaic_0001>
#map = affine_map<(d0, d1) -> (0, 0)>
#map1 = affine_map<(d0, d1) -> (0, 0, 0, 0, 0)>
module attributes {stable_mosaic.version = 14 : i64} {
  func.func @_sc_body(%arg0: i32, %arg1: i32, %arg2: memref<200x4096xi32, #tpu.memory_space<hbm>>, %arg3: memref<1000000x64xf32, #tpu.memory_space<hbm>>, %arg4: memref<200x64xf32, #tpu.memory_space<hbm>>, %arg5: memref<200x8x32x8x128xf32, #tpu.memory_space<hbm>>, %arg6: memref<200x128xi32, #tpu.memory_space<vmem>>, %arg7: memref<200x64xf32, #tpu.memory_space<vmem>>, %arg8: memref<128x64xf32, #tpu.memory_space<vmem>>, %arg9: memref<128x64xf32, #tpu.memory_space<vmem>>, %arg10: memref<128x64xf32, #tpu.memory_space<vmem>>, %arg11: memref<128x64xf32, #tpu.memory_space<vmem>>, %arg12: memref<8x8x129xf32, #tpu.memory_space<vmem>>, %arg13: memref<8x8x129xf32, #tpu.memory_space<vmem>>, %arg14: memref<8x8x129xf32, #tpu.memory_space<vmem>>, %arg15: memref<8x8x129xf32, #tpu.memory_space<vmem>>, %arg16: memref<!tpu.dma_semaphore, #tpu.memory_space<semaphore_mem>>, %arg17: memref<!tpu.dma_semaphore, #tpu.memory_space<semaphore_mem>>, %arg18: memref<!tpu.dma_semaphore, #tpu.memory_space<semaphore_mem>>, %arg19: memref<!tpu.dma_semaphore, #tpu.memory_space<semaphore_mem>>, %arg20: memref<!tpu.dma_semaphore, #tpu.memory_space<semaphore_mem>>, %arg21: memref<!tpu.dma_semaphore, #tpu.memory_space<semaphore_mem>>, %arg22: memref<!tpu.dma_semaphore, #tpu.memory_space<semaphore_mem>>, %arg23: memref<!tpu.dma_semaphore, #tpu.memory_space<semaphore_mem>>) attributes {dimension_semantics = [#tpu.dimension_semantics<core_parallel>, #tpu.dimension_semantics<subcore_parallel>], iteration_bounds = array<i64: 2, 16>, scalar_prefetch = 0 : i64, scratch_operands = 18 : i64, tpu.core_type = #tpu.core_type<sc_vector_subcore>, window_params = [{transform_indices = #map}, {transform_indices = #map}, {transform_indices = #map}, {transform_indices = #map1}]} {
    %mul3A = arith.constant 16 : i32
    %mul3A_0 = arith.muli %arg0, %mul3A : i32
    %add3A = arith.addi %mul3A_0, %arg1 : i32
    %mul3A_1 = arith.constant 128 : i32
    %mul3A_2 = arith.muli %add3A, %mul3A_1 : i32
    "tpu.region"() ({
      %run_scoped3A = tpu.sem_alloc : memref<!tpu.dma_semaphore, #tpu.memory_space<semaphore_mem>>
      %dma_start3A_336 = arith.constant 0 : i32
      %dma_start3A_337 = tpu.memref_slice %arg2[%dma_start3A_336, %mul3A_2] : memref<200x4096xi32, #tpu.memory_space<hbm>> -> memref<200x128xi32, #tpu.memory_space<hbm>>
      %dma_start3A_338 = arith.constant 0 : i32
      %dma_start3A_339 = tpu.memref_slice %arg2[%dma_start3A_338, %mul3A_2] : memref<200x4096xi32, #tpu.memory_space<hbm>> -> memref<200x128xi32, #tpu.memory_space<hbm>>
      tpu.enqueue_dma source(%dma_start3A_339 : memref<200x128xi32, #tpu.memory_space<hbm>>) target(%arg6 : memref<200x128xi32, #tpu.memory_space<vmem>>) target_semaphore(%run_scoped3A : memref<!tpu.dma_semaphore, #tpu.memory_space<semaphore_mem>>)
      %dma_wait3A_340 = arith.constant 0 : i32
      %dma_wait3A_341 = tpu.memref_slice %arg2[%dma_wait3A_340, %mul3A_2] : memref<200x4096xi32, #tpu.memory_space<hbm>> -> memref<200x128xi32, #tpu.memory_space<hbm>>
      %dma_wait3A_342 = arith.constant 0 : i32
      %dma_wait3A_343 = tpu.memref_slice %arg2[%dma_wait3A_342, %mul3A_2] : memref<200x4096xi32, #tpu.memory_space<hbm>> -> memref<200x128xi32, #tpu.memory_space<hbm>>
      tpu.wait_dma2 semaphore(%run_scoped3A : memref<!tpu.dma_semaphore, #tpu.memory_space<semaphore_mem>>) src(%dma_wait3A_343 : memref<200x128xi32, #tpu.memory_space<hbm>>) dst(%arg6 : memref<200x128xi32, #tpu.memory_space<vmem>>)
      tpu.yield
    }) : () -> ()
    "tpu.region"() ({
      %run_scoped3A = tpu.sem_alloc : memref<!tpu.dma_semaphore, #tpu.memory_space<semaphore_mem>>
      tpu.enqueue_dma source(%arg4 : memref<200x64xf32, #tpu.memory_space<hbm>>) target(%arg7 : memref<200x64xf32, #tpu.memory_space<vmem>>) target_semaphore(%run_scoped3A : memref<!tpu.dma_semaphore, #tpu.memory_space<semaphore_mem>>)
      tpu.wait_dma2 semaphore(%run_scoped3A : memref<!tpu.dma_semaphore, #tpu.memory_space<semaphore_mem>>) src(%arg4 : memref<200x64xf32, #tpu.memory_space<hbm>>) dst(%arg7 : memref<200x64xf32, #tpu.memory_space<vmem>>)
      tpu.yield
    }) : () -> ()
    %iota3A = tpu.iota {dimensions = array<i32: 0>} : vector<16xi32>
    %add3A_3 = arith.constant 0 : i32
    %add3A_4 = vector.broadcast %add3A_3 : i32 to vector<16xi32>
    %add3A_5 = arith.addi %iota3A, %add3A_4 : vector<16xi32>
    %jit3A = arith.constant 8 : i32
    %div3A = vector.broadcast %jit3A : i32 to vector<16xi32>
    %div3A_6 = arith.divsi %add3A_5, %div3A : vector<16xi32>
    %sign3A = arith.constant 0 : i32
    %sign3A_7 = vector.broadcast %sign3A : i32 to vector<16xi32>
    %sign3A_8 = arith.cmpi sgt, %add3A_5, %sign3A_7 : vector<16xi32>
    %sign3A_9 = arith.extui %sign3A_8 : vector<16xi1> to vector<16xi32>
    %sign3A_10 = arith.constant 0 : i32
    %sign3A_11 = vector.broadcast %sign3A_10 : i32 to vector<16xi32>
    %sign3A_12 = arith.cmpi slt, %add3A_5, %sign3A_11 : vector<16xi32>
    %sign3A_13 = arith.extui %sign3A_12 : vector<16xi1> to vector<16xi32>
    %sign3A_14 = arith.subi %sign3A_9, %sign3A_13 : vector<16xi32>
    %sign3A_15 = arith.constant 0 : i32
    %sign3A_16 = arith.cmpi sgt, %jit3A, %sign3A_15 : i32
    %sign3A_17 = arith.extui %sign3A_16 : i1 to i32
    %sign3A_18 = arith.constant 0 : i32
    %sign3A_19 = arith.cmpi slt, %jit3A, %sign3A_18 : i32
    %sign3A_20 = arith.extui %sign3A_19 : i1 to i32
    %sign3A_21 = arith.subi %sign3A_17, %sign3A_20 : i32
    %ne3A = vector.broadcast %sign3A_21 : i32 to vector<16xi32>
    %ne3A_22 = arith.cmpi ne, %sign3A_14, %ne3A : vector<16xi32>
    %rem3A = vector.broadcast %jit3A : i32 to vector<16xi32>
    %rem3A_23 = arith.remsi %add3A_5, %rem3A : vector<16xi32>
    %ne3A_24 = arith.constant 0 : i32
    %ne3A_25 = vector.broadcast %ne3A_24 : i32 to vector<16xi32>
    %ne3A_26 = arith.cmpi ne, %rem3A_23, %ne3A_25 : vector<16xi32>
    %and3A = arith.andi %ne3A_22, %ne3A_26 : vector<16xi1>
    %sub3A = arith.constant 1 : i32
    %sub3A_27 = vector.broadcast %sub3A : i32 to vector<16xi32>
    %sub3A_28 = arith.subi %div3A_6, %sub3A_27 : vector<16xi32>
    %select_n3A = arith.select %and3A, %sub3A_28, %div3A_6 : vector<16xi1>, vector<16xi32>
    %add3A_29 = arith.constant 16 : i32
    %add3A_30 = vector.broadcast %add3A_29 : i32 to vector<16xi32>
    %add3A_31 = arith.addi %iota3A, %add3A_30 : vector<16xi32>
    %jit3A_32 = arith.constant 8 : i32
    %div3A_33 = vector.broadcast %jit3A_32 : i32 to vector<16xi32>
    %div3A_34 = arith.divsi %add3A_31, %div3A_33 : vector<16xi32>
    %sign3A_35 = arith.constant 0 : i32
    %sign3A_36 = vector.broadcast %sign3A_35 : i32 to vector<16xi32>
    %sign3A_37 = arith.cmpi sgt, %add3A_31, %sign3A_36 : vector<16xi32>
    %sign3A_38 = arith.extui %sign3A_37 : vector<16xi1> to vector<16xi32>
    %sign3A_39 = arith.constant 0 : i32
    %sign3A_40 = vector.broadcast %sign3A_39 : i32 to vector<16xi32>
    %sign3A_41 = arith.cmpi slt, %add3A_31, %sign3A_40 : vector<16xi32>
    %sign3A_42 = arith.extui %sign3A_41 : vector<16xi1> to vector<16xi32>
    %sign3A_43 = arith.subi %sign3A_38, %sign3A_42 : vector<16xi32>
    %sign3A_44 = arith.constant 0 : i32
    %sign3A_45 = arith.cmpi sgt, %jit3A_32, %sign3A_44 : i32
    %sign3A_46 = arith.extui %sign3A_45 : i1 to i32
    %sign3A_47 = arith.constant 0 : i32
    %sign3A_48 = arith.cmpi slt, %jit3A_32, %sign3A_47 : i32
    %sign3A_49 = arith.extui %sign3A_48 : i1 to i32
    %sign3A_50 = arith.subi %sign3A_46, %sign3A_49 : i32
    %ne3A_51 = vector.broadcast %sign3A_50 : i32 to vector<16xi32>
    %ne3A_52 = arith.cmpi ne, %sign3A_43, %ne3A_51 : vector<16xi32>
    %rem3A_53 = vector.broadcast %jit3A_32 : i32 to vector<16xi32>
    %rem3A_54 = arith.remsi %add3A_31, %rem3A_53 : vector<16xi32>
    %ne3A_55 = arith.constant 0 : i32
    %ne3A_56 = vector.broadcast %ne3A_55 : i32 to vector<16xi32>
    %ne3A_57 = arith.cmpi ne, %rem3A_54, %ne3A_56 : vector<16xi32>
    %and3A_58 = arith.andi %ne3A_52, %ne3A_57 : vector<16xi1>
    %sub3A_59 = arith.constant 1 : i32
    %sub3A_60 = vector.broadcast %sub3A_59 : i32 to vector<16xi32>
    %sub3A_61 = arith.subi %div3A_34, %sub3A_60 : vector<16xi32>
    %select_n3A_62 = arith.select %and3A_58, %sub3A_61, %div3A_34 : vector<16xi1>, vector<16xi32>
    %add3A_63 = arith.constant 32 : i32
    %add3A_64 = vector.broadcast %add3A_63 : i32 to vector<16xi32>
    %add3A_65 = arith.addi %iota3A, %add3A_64 : vector<16xi32>
    %jit3A_66 = arith.constant 8 : i32
    %div3A_67 = vector.broadcast %jit3A_66 : i32 to vector<16xi32>
    %div3A_68 = arith.divsi %add3A_65, %div3A_67 : vector<16xi32>
    %sign3A_69 = arith.constant 0 : i32
    %sign3A_70 = vector.broadcast %sign3A_69 : i32 to vector<16xi32>
    %sign3A_71 = arith.cmpi sgt, %add3A_65, %sign3A_70 : vector<16xi32>
    %sign3A_72 = arith.extui %sign3A_71 : vector<16xi1> to vector<16xi32>
    %sign3A_73 = arith.constant 0 : i32
    %sign3A_74 = vector.broadcast %sign3A_73 : i32 to vector<16xi32>
    %sign3A_75 = arith.cmpi slt, %add3A_65, %sign3A_74 : vector<16xi32>
    %sign3A_76 = arith.extui %sign3A_75 : vector<16xi1> to vector<16xi32>
    %sign3A_77 = arith.subi %sign3A_72, %sign3A_76 : vector<16xi32>
    %sign3A_78 = arith.constant 0 : i32
    %sign3A_79 = arith.cmpi sgt, %jit3A_66, %sign3A_78 : i32
    %sign3A_80 = arith.extui %sign3A_79 : i1 to i32
    %sign3A_81 = arith.constant 0 : i32
    %sign3A_82 = arith.cmpi slt, %jit3A_66, %sign3A_81 : i32
    %sign3A_83 = arith.extui %sign3A_82 : i1 to i32
    %sign3A_84 = arith.subi %sign3A_80, %sign3A_83 : i32
    %ne3A_85 = vector.broadcast %sign3A_84 : i32 to vector<16xi32>
    %ne3A_86 = arith.cmpi ne, %sign3A_77, %ne3A_85 : vector<16xi32>
    %rem3A_87 = vector.broadcast %jit3A_66 : i32 to vector<16xi32>
    %rem3A_88 = arith.remsi %add3A_65, %rem3A_87 : vector<16xi32>
    %ne3A_89 = arith.constant 0 : i32
    %ne3A_90 = vector.broadcast %ne3A_89 : i32 to vector<16xi32>
    %ne3A_91 = arith.cmpi ne, %rem3A_88, %ne3A_90 : vector<16xi32>
    %and3A_92 = arith.andi %ne3A_86, %ne3A_91 : vector<16xi1>
    %sub3A_93 = arith.constant 1 : i32
    %sub3A_94 = vector.broadcast %sub3A_93 : i32 to vector<16xi32>
    %sub3A_95 = arith.subi %div3A_68, %sub3A_94 : vector<16xi32>
    %select_n3A_96 = arith.select %and3A_92, %sub3A_95, %div3A_68 : vector<16xi1>, vector<16xi32>
    %add3A_97 = arith.constant 48 : i32
    %add3A_98 = vector.broadcast %add3A_97 : i32 to vector<16xi32>
    %add3A_99 = arith.addi %iota3A, %add3A_98 : vector<16xi32>
    %jit3A_100 = arith.constant 8 : i32
    %div3A_101 = vector.broadcast %jit3A_100 : i32 to vector<16xi32>
    %div3A_102 = arith.divsi %add3A_99, %div3A_101 : vector<16xi32>
    %sign3A_103 = arith.constant 0 : i32
    %sign3A_104 = vector.broadcast %sign3A_103 : i32 to vector<16xi32>
    %sign3A_105 = arith.cmpi sgt, %add3A_99, %sign3A_104 : vector<16xi32>
    %sign3A_106 = arith.extui %sign3A_105 : vector<16xi1> to vector<16xi32>
    %sign3A_107 = arith.constant 0 : i32
    %sign3A_108 = vector.broadcast %sign3A_107 : i32 to vector<16xi32>
    %sign3A_109 = arith.cmpi slt, %add3A_99, %sign3A_108 : vector<16xi32>
    %sign3A_110 = arith.extui %sign3A_109 : vector<16xi1> to vector<16xi32>
    %sign3A_111 = arith.subi %sign3A_106, %sign3A_110 : vector<16xi32>
    %sign3A_112 = arith.constant 0 : i32
    %sign3A_113 = arith.cmpi sgt, %jit3A_100, %sign3A_112 : i32
    %sign3A_114 = arith.extui %sign3A_113 : i1 to i32
    %sign3A_115 = arith.constant 0 : i32
    %sign3A_116 = arith.cmpi slt, %jit3A_100, %sign3A_115 : i32
    %sign3A_117 = arith.extui %sign3A_116 : i1 to i32
    %sign3A_118 = arith.subi %sign3A_114, %sign3A_117 : i32
    %ne3A_119 = vector.broadcast %sign3A_118 : i32 to vector<16xi32>
    %ne3A_120 = arith.cmpi ne, %sign3A_111, %ne3A_119 : vector<16xi32>
    %rem3A_121 = vector.broadcast %jit3A_100 : i32 to vector<16xi32>
    %rem3A_122 = arith.remsi %add3A_99, %rem3A_121 : vector<16xi32>
    %ne3A_123 = arith.constant 0 : i32
    %ne3A_124 = vector.broadcast %ne3A_123 : i32 to vector<16xi32>
    %ne3A_125 = arith.cmpi ne, %rem3A_122, %ne3A_124 : vector<16xi32>
    %and3A_126 = arith.andi %ne3A_120, %ne3A_125 : vector<16xi1>
    %sub3A_127 = arith.constant 1 : i32
    %sub3A_128 = vector.broadcast %sub3A_127 : i32 to vector<16xi32>
    %sub3A_129 = arith.subi %div3A_102, %sub3A_128 : vector<16xi32>
    %select_n3A_130 = arith.select %and3A_126, %sub3A_129, %div3A_102 : vector<16xi1>, vector<16xi32>
    %add3A_131 = arith.constant 0 : i32
    %add3A_132 = vector.broadcast %add3A_131 : i32 to vector<16xi32>
    %add3A_133 = arith.addi %iota3A, %add3A_132 : vector<16xi32>
    %jit3A_134 = arith.constant 8 : i32
    %eq3A = arith.constant 0 : i32
    %eq3A_135 = arith.cmpi eq, %jit3A_134, %eq3A : i32
    %jit3A_136 = arith.constant 1 : i32
    %select_n3A_137 = arith.select %eq3A_135, %jit3A_136, %jit3A_134 : i32
    %rem3A_138 = vector.broadcast %select_n3A_137 : i32 to vector<16xi32>
    %rem3A_139 = arith.remsi %add3A_133, %rem3A_138 : vector<16xi32>
    %ne3A_140 = arith.constant 0 : i32
    %ne3A_141 = vector.broadcast %ne3A_140 : i32 to vector<16xi32>
    %ne3A_142 = arith.cmpi ne, %rem3A_139, %ne3A_141 : vector<16xi32>
    %lt3A = arith.constant 0 : i32
    %lt3A_143 = vector.broadcast %lt3A : i32 to vector<16xi32>
    %lt3A_144 = arith.cmpi slt, %rem3A_139, %lt3A_143 : vector<16xi32>
    %lt3A_145 = arith.constant 0 : i32
    %lt3A_146 = arith.cmpi slt, %select_n3A_137, %lt3A_145 : i32
    %ne3A_147 = vector.broadcast %lt3A_146 : i1 to vector<16xi1>
    %ne3A_148 = vector.broadcast %ne3A_147 : vector<16xi1> to vector<16xi1>
    %ne3A_149 = arith.xori %lt3A_144, %ne3A_148 : vector<16xi1>
    %and3A_150 = arith.andi %ne3A_149, %ne3A_142 : vector<16xi1>
    %add3A_151 = vector.broadcast %select_n3A_137 : i32 to vector<16xi32>
    %add3A_152 = arith.addi %rem3A_139, %add3A_151 : vector<16xi32>
    %select_n3A_153 = arith.select %and3A_150, %add3A_152, %rem3A_139 : vector<16xi1>, vector<16xi32>
    %add3A_154 = arith.constant 16 : i32
    %add3A_155 = vector.broadcast %add3A_154 : i32 to vector<16xi32>
    %add3A_156 = arith.addi %iota3A, %add3A_155 : vector<16xi32>
    %jit3A_157 = arith.constant 8 : i32
    %eq3A_158 = arith.constant 0 : i32
    %eq3A_159 = arith.cmpi eq, %jit3A_157, %eq3A_158 : i32
    %jit3A_160 = arith.constant 1 : i32
    %select_n3A_161 = arith.select %eq3A_159, %jit3A_160, %jit3A_157 : i32
    %rem3A_162 = vector.broadcast %select_n3A_161 : i32 to vector<16xi32>
    %rem3A_163 = arith.remsi %add3A_156, %rem3A_162 : vector<16xi32>
    %ne3A_164 = arith.constant 0 : i32
    %ne3A_165 = vector.broadcast %ne3A_164 : i32 to vector<16xi32>
    %ne3A_166 = arith.cmpi ne, %rem3A_163, %ne3A_165 : vector<16xi32>
    %lt3A_167 = arith.constant 0 : i32
    %lt3A_168 = vector.broadcast %lt3A_167 : i32 to vector<16xi32>
    %lt3A_169 = arith.cmpi slt, %rem3A_163, %lt3A_168 : vector<16xi32>
    %lt3A_170 = arith.constant 0 : i32
    %lt3A_171 = arith.cmpi slt, %select_n3A_161, %lt3A_170 : i32
    %ne3A_172 = vector.broadcast %lt3A_171 : i1 to vector<16xi1>
    %ne3A_173 = vector.broadcast %ne3A_172 : vector<16xi1> to vector<16xi1>
    %ne3A_174 = arith.xori %lt3A_169, %ne3A_173 : vector<16xi1>
    %and3A_175 = arith.andi %ne3A_174, %ne3A_166 : vector<16xi1>
    %add3A_176 = vector.broadcast %select_n3A_161 : i32 to vector<16xi32>
    %add3A_177 = arith.addi %rem3A_163, %add3A_176 : vector<16xi32>
    %select_n3A_178 = arith.select %and3A_175, %add3A_177, %rem3A_163 : vector<16xi1>, vector<16xi32>
    %add3A_179 = arith.constant 32 : i32
    %add3A_180 = vector.broadcast %add3A_179 : i32 to vector<16xi32>
    %add3A_181 = arith.addi %iota3A, %add3A_180 : vector<16xi32>
    %jit3A_182 = arith.constant 8 : i32
    %eq3A_183 = arith.constant 0 : i32
    %eq3A_184 = arith.cmpi eq, %jit3A_182, %eq3A_183 : i32
    %jit3A_185 = arith.constant 1 : i32
    %select_n3A_186 = arith.select %eq3A_184, %jit3A_185, %jit3A_182 : i32
    %rem3A_187 = vector.broadcast %select_n3A_186 : i32 to vector<16xi32>
    %rem3A_188 = arith.remsi %add3A_181, %rem3A_187 : vector<16xi32>
    %ne3A_189 = arith.constant 0 : i32
    %ne3A_190 = vector.broadcast %ne3A_189 : i32 to vector<16xi32>
    %ne3A_191 = arith.cmpi ne, %rem3A_188, %ne3A_190 : vector<16xi32>
    %lt3A_192 = arith.constant 0 : i32
    %lt3A_193 = vector.broadcast %lt3A_192 : i32 to vector<16xi32>
    %lt3A_194 = arith.cmpi slt, %rem3A_188, %lt3A_193 : vector<16xi32>
    %lt3A_195 = arith.constant 0 : i32
    %lt3A_196 = arith.cmpi slt, %select_n3A_186, %lt3A_195 : i32
    %ne3A_197 = vector.broadcast %lt3A_196 : i1 to vector<16xi1>
    %ne3A_198 = vector.broadcast %ne3A_197 : vector<16xi1> to vector<16xi1>
    %ne3A_199 = arith.xori %lt3A_194, %ne3A_198 : vector<16xi1>
    %and3A_200 = arith.andi %ne3A_199, %ne3A_191 : vector<16xi1>
    %add3A_201 = vector.broadcast %select_n3A_186 : i32 to vector<16xi32>
    %add3A_202 = arith.addi %rem3A_188, %add3A_201 : vector<16xi32>
    %select_n3A_203 = arith.select %and3A_200, %add3A_202, %rem3A_188 : vector<16xi1>, vector<16xi32>
    %add3A_204 = arith.constant 48 : i32
    %add3A_205 = vector.broadcast %add3A_204 : i32 to vector<16xi32>
    %add3A_206 = arith.addi %iota3A, %add3A_205 : vector<16xi32>
    %jit3A_207 = arith.constant 8 : i32
    %eq3A_208 = arith.constant 0 : i32
    %eq3A_209 = arith.cmpi eq, %jit3A_207, %eq3A_208 : i32
    %jit3A_210 = arith.constant 1 : i32
    %select_n3A_211 = arith.select %eq3A_209, %jit3A_210, %jit3A_207 : i32
    %rem3A_212 = vector.broadcast %select_n3A_211 : i32 to vector<16xi32>
    %rem3A_213 = arith.remsi %add3A_206, %rem3A_212 : vector<16xi32>
    %ne3A_214 = arith.constant 0 : i32
    %ne3A_215 = vector.broadcast %ne3A_214 : i32 to vector<16xi32>
    %ne3A_216 = arith.cmpi ne, %rem3A_213, %ne3A_215 : vector<16xi32>
    %lt3A_217 = arith.constant 0 : i32
    %lt3A_218 = vector.broadcast %lt3A_217 : i32 to vector<16xi32>
    %lt3A_219 = arith.cmpi slt, %rem3A_213, %lt3A_218 : vector<16xi32>
    %lt3A_220 = arith.constant 0 : i32
    %lt3A_221 = arith.cmpi slt, %select_n3A_211, %lt3A_220 : i32
    %ne3A_222 = vector.broadcast %lt3A_221 : i1 to vector<16xi1>
    %ne3A_223 = vector.broadcast %ne3A_222 : vector<16xi1> to vector<16xi1>
    %ne3A_224 = arith.xori %lt3A_219, %ne3A_223 : vector<16xi1>
    %and3A_225 = arith.andi %ne3A_224, %ne3A_216 : vector<16xi1>
    %add3A_226 = vector.broadcast %select_n3A_211 : i32 to vector<16xi32>
    %add3A_227 = arith.addi %rem3A_213, %add3A_226 : vector<16xi32>
    %select_n3A_228 = arith.select %and3A_225, %add3A_227, %rem3A_213 : vector<16xi1>, vector<16xi32>
    %dma_start3A = arith.constant 0 : i32
    %dma_start3A_229 = arith.constant 0 : i32
    %dma_start3A_230 = tpu.memref_slice %arg6[%dma_start3A, %dma_start3A_229] : memref<200x128xi32, #tpu.memory_space<vmem>> -> memref<1x128xi32, #tpu.memory_space<vmem>>
    %dma_start3A_231 = tpu.memref_squeeze %dma_start3A_230 : memref<1x128xi32, #tpu.memory_space<vmem>> -> memref<128xi32, #tpu.memory_space<vmem>>
    %dma_start3A_232 = arith.constant 0 : i32
    %dma_start3A_233 = arith.constant 0 : i32
    %dma_start3A_234 = tpu.memref_slice %arg3[%dma_start3A_232, %dma_start3A_233] : memref<1000000x64xf32, #tpu.memory_space<hbm>> -> memref<1000000x64xf32, #tpu.memory_space<hbm>>
    tpu.enqueue_indirect_dma source(%dma_start3A_234 : memref<1000000x64xf32, #tpu.memory_space<hbm>>) target(%arg8 : memref<128x64xf32, #tpu.memory_space<vmem>>) offsets(%dma_start3A_231 : memref<128xi32, #tpu.memory_space<vmem>>) semaphore(%arg16 : memref<!tpu.dma_semaphore, #tpu.memory_space<semaphore_mem>>)
    %dma_start3A_235 = arith.constant 1 : i32
    %dma_start3A_236 = arith.constant 0 : i32
    %dma_start3A_237 = tpu.memref_slice %arg6[%dma_start3A_235, %dma_start3A_236] : memref<200x128xi32, #tpu.memory_space<vmem>> -> memref<1x128xi32, #tpu.memory_space<vmem>>
    %dma_start3A_238 = tpu.memref_squeeze %dma_start3A_237 : memref<1x128xi32, #tpu.memory_space<vmem>> -> memref<128xi32, #tpu.memory_space<vmem>>
    %dma_start3A_239 = arith.constant 0 : i32
    %dma_start3A_240 = arith.constant 0 : i32
    %dma_start3A_241 = tpu.memref_slice %arg3[%dma_start3A_239, %dma_start3A_240] : memref<1000000x64xf32, #tpu.memory_space<hbm>> -> memref<1000000x64xf32, #tpu.memory_space<hbm>>
    tpu.enqueue_indirect_dma source(%dma_start3A_241 : memref<1000000x64xf32, #tpu.memory_space<hbm>>) target(%arg9 : memref<128x64xf32, #tpu.memory_space<vmem>>) offsets(%dma_start3A_238 : memref<128xi32, #tpu.memory_space<vmem>>) semaphore(%arg17 : memref<!tpu.dma_semaphore, #tpu.memory_space<semaphore_mem>>)
    %dma_start3A_242 = arith.constant 2 : i32
    %dma_start3A_243 = arith.constant 0 : i32
    %dma_start3A_244 = tpu.memref_slice %arg6[%dma_start3A_242, %dma_start3A_243] : memref<200x128xi32, #tpu.memory_space<vmem>> -> memref<1x128xi32, #tpu.memory_space<vmem>>
    %dma_start3A_245 = tpu.memref_squeeze %dma_start3A_244 : memref<1x128xi32, #tpu.memory_space<vmem>> -> memref<128xi32, #tpu.memory_space<vmem>>
    %dma_start3A_246 = arith.constant 0 : i32
    %dma_start3A_247 = arith.constant 0 : i32
    %dma_start3A_248 = tpu.memref_slice %arg3[%dma_start3A_246, %dma_start3A_247] : memref<1000000x64xf32, #tpu.memory_space<hbm>> -> memref<1000000x64xf32, #tpu.memory_space<hbm>>
    tpu.enqueue_indirect_dma source(%dma_start3A_248 : memref<1000000x64xf32, #tpu.memory_space<hbm>>) target(%arg10 : memref<128x64xf32, #tpu.memory_space<vmem>>) offsets(%dma_start3A_245 : memref<128xi32, #tpu.memory_space<vmem>>) semaphore(%arg18 : memref<!tpu.dma_semaphore, #tpu.memory_space<semaphore_mem>>)
    %dma_start3A_249 = arith.constant 3 : i32
    %dma_start3A_250 = arith.constant 0 : i32
    %dma_start3A_251 = tpu.memref_slice %arg6[%dma_start3A_249, %dma_start3A_250] : memref<200x128xi32, #tpu.memory_space<vmem>> -> memref<1x128xi32, #tpu.memory_space<vmem>>
    %dma_start3A_252 = tpu.memref_squeeze %dma_start3A_251 : memref<1x128xi32, #tpu.memory_space<vmem>> -> memref<128xi32, #tpu.memory_space<vmem>>
    %dma_start3A_253 = arith.constant 0 : i32
    %dma_start3A_254 = arith.constant 0 : i32
    %dma_start3A_255 = tpu.memref_slice %arg3[%dma_start3A_253, %dma_start3A_254] : memref<1000000x64xf32, #tpu.memory_space<hbm>> -> memref<1000000x64xf32, #tpu.memory_space<hbm>>
    tpu.enqueue_indirect_dma source(%dma_start3A_255 : memref<1000000x64xf32, #tpu.memory_space<hbm>>) target(%arg11 : memref<128x64xf32, #tpu.memory_space<vmem>>) offsets(%dma_start3A_252 : memref<128xi32, #tpu.memory_space<vmem>>) semaphore(%arg19 : memref<!tpu.dma_semaphore, #tpu.memory_space<semaphore_mem>>)
    %scan3A = arith.constant 0 : i32
    %scan3A_256 = arith.constant 0 : i32
    %scan3A_257 = arith.constant 50 : i32
    %scan3A_258 = arith.addi %scan3A_256, %scan3A_257 : i32
    %scan3A_259 = arith.constant 1 : i32
    scf.for %scan3A_336 = %scan3A_256 to %scan3A_258 step %scan3A_259  : i32 {
      %mul3A_337 = arith.constant 4 : i32
      %mul3A_338 = arith.muli %mul3A_337, %scan3A_336 : i32
      %add3A_339 = arith.constant 0 : i32
      %add3A_340 = arith.addi %mul3A_338, %add3A_339 : i32
      %dma_wait3A_341 = arith.constant 0 : i32
      %dma_wait3A_342 = tpu.memref_slice %arg6[%add3A_340, %dma_wait3A_341] : memref<200x128xi32, #tpu.memory_space<vmem>> -> memref<1x128xi32, #tpu.memory_space<vmem>>
      %dma_wait3A_343 = tpu.memref_squeeze %dma_wait3A_342 : memref<1x128xi32, #tpu.memory_space<vmem>> -> memref<128xi32, #tpu.memory_space<vmem>>
      %dma_wait3A_344 = arith.constant 0 : i32
      %dma_wait3A_345 = arith.constant 0 : i32
      %dma_wait3A_346 = tpu.memref_slice %arg3[%dma_wait3A_344, %dma_wait3A_345] : memref<1000000x64xf32, #tpu.memory_space<hbm>> -> memref<1000000x64xf32, #tpu.memory_space<hbm>>
      tpu.wait_indirect_dma semaphore(%arg16 : memref<!tpu.dma_semaphore, #tpu.memory_space<semaphore_mem>>) src(%dma_wait3A_346 : memref<1000000x64xf32, #tpu.memory_space<hbm>>) dst(%arg8 : memref<128x64xf32, #tpu.memory_space<vmem>>)
      %gt3A = arith.constant 0 : i32
      %gt3A_347 = arith.cmpi sgt, %scan3A_336, %gt3A : i32
      %convert_element_type3A = arith.extui %gt3A_347 : i1 to i32
      %cond3A = arith.constant 0 : i32
      %cond3A_348 = arith.cmpi ne, %convert_element_type3A, %cond3A : i32
      scf.if %cond3A_348 {
        %dma_wait3A_563 = arith.constant 0 : i32
        %dma_wait3A_564 = arith.constant 0 : i32
        %dma_wait3A_565 = arith.constant 0 : i32
        %dma_wait3A_566 = tpu.memref_slice %arg12[%dma_wait3A_563, %dma_wait3A_564, %dma_wait3A_565] : memref<8x8x129xf32, #tpu.memory_space<vmem>> -> memref<8x8x128xf32, #tpu.memory_space<vmem>>
        %dma_wait3A_567 = arith.constant 0 : i32
        %dma_wait3A_568 = arith.constant 0 : i32
        %dma_wait3A_569 = arith.constant 0 : i32
        %dma_wait3A_570 = tpu.memref_slice %arg5[%add3A_340, %dma_wait3A_567, %add3A, %dma_wait3A_568, %dma_wait3A_569] : memref<200x8x32x8x128xf32, #tpu.memory_space<hbm>> -> memref<1x8x1x8x128xf32, #tpu.memory_space<hbm>>
        %dma_wait3A_571 = tpu.memref_squeeze %dma_wait3A_570 : memref<1x8x1x8x128xf32, #tpu.memory_space<hbm>> -> memref<8x8x128xf32, #tpu.memory_space<hbm>>
        %dma_wait3A_572 = arith.constant 0 : i32
        %dma_wait3A_573 = arith.constant 0 : i32
        %dma_wait3A_574 = arith.constant 0 : i32
        %dma_wait3A_575 = tpu.memref_slice %arg5[%add3A_340, %dma_wait3A_572, %add3A, %dma_wait3A_573, %dma_wait3A_574] : memref<200x8x32x8x128xf32, #tpu.memory_space<hbm>> -> memref<1x8x1x8x128xf32, #tpu.memory_space<hbm>>
        %dma_wait3A_576 = tpu.memref_squeeze %dma_wait3A_575 : memref<1x8x1x8x128xf32, #tpu.memory_space<hbm>> -> memref<8x8x128xf32, #tpu.memory_space<hbm>>
        %dma_wait3A_577 = arith.constant 0 : i32
        %dma_wait3A_578 = arith.constant 0 : i32
        %dma_wait3A_579 = arith.constant 0 : i32
        %dma_wait3A_580 = tpu.memref_slice %arg12[%dma_wait3A_577, %dma_wait3A_578, %dma_wait3A_579] : memref<8x8x129xf32, #tpu.memory_space<vmem>> -> memref<8x8x128xf32, #tpu.memory_space<vmem>>
        tpu.wait_dma2 semaphore(%arg20 : memref<!tpu.dma_semaphore, #tpu.memory_space<semaphore_mem>>) src(%dma_wait3A_580 : memref<8x8x128xf32, #tpu.memory_space<vmem>>) dst(%dma_wait3A_576 : memref<8x8x128xf32, #tpu.memory_space<hbm>>)
      } else {
      }
      %get3A = arith.index_cast %add3A_340 : i32 to index
      %get3A_349 = arith.constant 0 : index
      %get3A_350 = tpu.vector_load %arg7[%get3A, %get3A_349] {strides = array<i32>} : memref<200x64xf32, #tpu.memory_space<vmem>>, vector<16xf32>,
      %get3A_351 = arith.index_cast %add3A_340 : i32 to index
      %get3A_352 = arith.constant 16 : index
      %get3A_353 = tpu.vector_load %arg7[%get3A_351, %get3A_352] {strides = array<i32>} : memref<200x64xf32, #tpu.memory_space<vmem>>, vector<16xf32>,
      %get3A_354 = arith.index_cast %add3A_340 : i32 to index
      %get3A_355 = arith.constant 32 : index
      %get3A_356 = tpu.vector_load %arg7[%get3A_354, %get3A_355] {strides = array<i32>} : memref<200x64xf32, #tpu.memory_space<vmem>>, vector<16xf32>,
      %get3A_357 = arith.index_cast %add3A_340 : i32 to index
      %get3A_358 = arith.constant 48 : index
      %get3A_359 = tpu.vector_load %arg7[%get3A_357, %get3A_358] {strides = array<i32>} : memref<200x64xf32, #tpu.memory_space<vmem>>, vector<16xf32>,
      %broadcast_in_dim3A = arith.constant 0 : i32
      %broadcast_in_dim3A_360 = vector.broadcast %broadcast_in_dim3A : i32 to vector<16xi32>
      %parallel_loop3A = arith.constant 0 : i32
      %parallel_loop3A_361 = arith.constant 128 : i32
      %parallel_loop3A_362 = arith.constant 1 : i32
      %parallel_loop3A_363:5 = scf.for %parallel_loop3A_563 = %parallel_loop3A to %parallel_loop3A_361 step %parallel_loop3A_362 iter_args(%parallel_loop3A_564 = %broadcast_in_dim3A_360, %parallel_loop3A_565 = %get3A_350, %parallel_loop3A_566 = %get3A_353, %parallel_loop3A_567 = %get3A_356, %parallel_loop3A_568 = %get3A_359) -> (vector<16xi32>, vector<16xf32>, vector<16xf32>, vector<16xf32>, vector<16xf32>)  : i32 {
        %parallel_loop3A_569 = arith.index_cast %parallel_loop3A_563 : i32 to index
        %parallel_loop3A_570 = arith.constant 0 : index
        %parallel_loop3A_571 = tpu.vector_load %arg8[%parallel_loop3A_569, %parallel_loop3A_570] {strides = array<i32>} : memref<128x64xf32, #tpu.memory_space<vmem>>, vector<16xf32>,
        %parallel_loop3A_572 = arith.constant 8.000000e+00 : f32
        %parallel_loop3A_573 = vector.broadcast %parallel_loop3A_572 : f32 to vector<16xf32>
        %parallel_loop3A_574 = arith.mulf %parallel_loop3A_571, %parallel_loop3A_573 : vector<16xf32>
        %parallel_loop3A_575 = arith.addf %parallel_loop3A_574, %parallel_loop3A_565 : vector<16xf32>
        tpu.vector_store_idx %arg12[%select_n3A, %select_n3A_153, %parallel_loop3A_564], %parallel_loop3A_575 : memref<8x8x129xf32, #tpu.memory_space<vmem>>[vector<16xi32>, vector<16xi32>, vector<16xi32>], vector<16xf32>,
        %parallel_loop3A_576 = arith.index_cast %parallel_loop3A_563 : i32 to index
        %parallel_loop3A_577 = arith.constant 16 : index
        %parallel_loop3A_578 = tpu.vector_load %arg8[%parallel_loop3A_576, %parallel_loop3A_577] {strides = array<i32>} : memref<128x64xf32, #tpu.memory_space<vmem>>, vector<16xf32>,
        %parallel_loop3A_579 = arith.constant 8.000000e+00 : f32
        %parallel_loop3A_580 = vector.broadcast %parallel_loop3A_579 : f32 to vector<16xf32>
        %parallel_loop3A_581 = arith.mulf %parallel_loop3A_578, %parallel_loop3A_580 : vector<16xf32>
        %parallel_loop3A_582 = arith.addf %parallel_loop3A_581, %parallel_loop3A_566 : vector<16xf32>
        tpu.vector_store_idx %arg12[%select_n3A_62, %select_n3A_178, %parallel_loop3A_564], %parallel_loop3A_582 : memref<8x8x129xf32, #tpu.memory_space<vmem>>[vector<16xi32>, vector<16xi32>, vector<16xi32>], vector<16xf32>,
        %parallel_loop3A_583 = arith.index_cast %parallel_loop3A_563 : i32 to index
        %parallel_loop3A_584 = arith.constant 32 : index
        %parallel_loop3A_585 = tpu.vector_load %arg8[%parallel_loop3A_583, %parallel_loop3A_584] {strides = array<i32>} : memref<128x64xf32, #tpu.memory_space<vmem>>, vector<16xf32>,
        %parallel_loop3A_586 = arith.constant 8.000000e+00 : f32
        %parallel_loop3A_587 = vector.broadcast %parallel_loop3A_586 : f32 to vector<16xf32>
        %parallel_loop3A_588 = arith.mulf %parallel_loop3A_585, %parallel_loop3A_587 : vector<16xf32>
        %parallel_loop3A_589 = arith.addf %parallel_loop3A_588, %parallel_loop3A_567 : vector<16xf32>
        tpu.vector_store_idx %arg12[%select_n3A_96, %select_n3A_203, %parallel_loop3A_564], %parallel_loop3A_589 : memref<8x8x129xf32, #tpu.memory_space<vmem>>[vector<16xi32>, vector<16xi32>, vector<16xi32>], vector<16xf32>,
        %parallel_loop3A_590 = arith.index_cast %parallel_loop3A_563 : i32 to index
        %parallel_loop3A_591 = arith.constant 48 : index
        %parallel_loop3A_592 = tpu.vector_load %arg8[%parallel_loop3A_590, %parallel_loop3A_591] {strides = array<i32>} : memref<128x64xf32, #tpu.memory_space<vmem>>, vector<16xf32>,
        %parallel_loop3A_593 = arith.constant 8.000000e+00 : f32
        %parallel_loop3A_594 = vector.broadcast %parallel_loop3A_593 : f32 to vector<16xf32>
        %parallel_loop3A_595 = arith.mulf %parallel_loop3A_592, %parallel_loop3A_594 : vector<16xf32>
        %parallel_loop3A_596 = arith.addf %parallel_loop3A_595, %parallel_loop3A_568 : vector<16xf32>
        tpu.vector_store_idx %arg12[%select_n3A_130, %select_n3A_228, %parallel_loop3A_564], %parallel_loop3A_596 : memref<8x8x129xf32, #tpu.memory_space<vmem>>[vector<16xi32>, vector<16xi32>, vector<16xi32>], vector<16xf32>,
        %parallel_loop3A_597 = arith.constant 1 : i32
        %parallel_loop3A_598 = vector.broadcast %parallel_loop3A_597 : i32 to vector<16xi32>
        %parallel_loop3A_599 = arith.addi %parallel_loop3A_564, %parallel_loop3A_598 : vector<16xi32>
        scf.yield %parallel_loop3A_599, %parallel_loop3A_565, %parallel_loop3A_566, %parallel_loop3A_567, %parallel_loop3A_568 : vector<16xi32>, vector<16xf32>, vector<16xf32>, vector<16xf32>, vector<16xf32>
      } {sc.loop_unroll_factor = 4 : i64, sc.parallel_access}
      %dma_start3A_364 = arith.constant 0 : i32
      %dma_start3A_365 = arith.constant 0 : i32
      %dma_start3A_366 = arith.constant 0 : i32
      %dma_start3A_367 = tpu.memref_slice %arg12[%dma_start3A_364, %dma_start3A_365, %dma_start3A_366] : memref<8x8x129xf32, #tpu.memory_space<vmem>> -> memref<8x8x128xf32, #tpu.memory_space<vmem>>
      %dma_start3A_368 = arith.constant 0 : i32
      %dma_start3A_369 = arith.constant 0 : i32
      %dma_start3A_370 = arith.constant 0 : i32
      %dma_start3A_371 = tpu.memref_slice %arg5[%add3A_340, %dma_start3A_368, %add3A, %dma_start3A_369, %dma_start3A_370] : memref<200x8x32x8x128xf32, #tpu.memory_space<hbm>> -> memref<1x8x1x8x128xf32, #tpu.memory_space<hbm>>
      %dma_start3A_372 = tpu.memref_squeeze %dma_start3A_371 : memref<1x8x1x8x128xf32, #tpu.memory_space<hbm>> -> memref<8x8x128xf32, #tpu.memory_space<hbm>>
      %dma_start3A_373 = arith.constant 0 : i32
      %dma_start3A_374 = arith.constant 0 : i32
      %dma_start3A_375 = arith.constant 0 : i32
      %dma_start3A_376 = tpu.memref_slice %arg5[%add3A_340, %dma_start3A_373, %add3A, %dma_start3A_374, %dma_start3A_375] : memref<200x8x32x8x128xf32, #tpu.memory_space<hbm>> -> memref<1x8x1x8x128xf32, #tpu.memory_space<hbm>>
      %dma_start3A_377 = tpu.memref_squeeze %dma_start3A_376 : memref<1x8x1x8x128xf32, #tpu.memory_space<hbm>> -> memref<8x8x128xf32, #tpu.memory_space<hbm>>
      %dma_start3A_378 = arith.constant 0 : i32
      %dma_start3A_379 = arith.constant 0 : i32
      %dma_start3A_380 = arith.constant 0 : i32
      %dma_start3A_381 = tpu.memref_slice %arg12[%dma_start3A_378, %dma_start3A_379, %dma_start3A_380] : memref<8x8x129xf32, #tpu.memory_space<vmem>> -> memref<8x8x128xf32, #tpu.memory_space<vmem>>
      tpu.enqueue_dma source(%dma_start3A_381 : memref<8x8x128xf32, #tpu.memory_space<vmem>>) target(%dma_start3A_377 : memref<8x8x128xf32, #tpu.memory_space<hbm>>) target_semaphore(%arg20 : memref<!tpu.dma_semaphore, #tpu.memory_space<semaphore_mem>>)
      %add3A_382 = arith.constant 4 : i32
      %add3A_383 = arith.addi %add3A_340, %add3A_382 : i32
      %lt3A_384 = arith.constant 200 : i32
      %lt3A_385 = arith.cmpi slt, %add3A_383, %lt3A_384 : i32
      %convert_element_type3A_386 = arith.extui %lt3A_385 : i1 to i32
      %cond3A_387 = arith.constant 0 : i32
      %cond3A_388 = arith.cmpi ne, %convert_element_type3A_386, %cond3A_387 : i32
      scf.if %cond3A_388 {
        %add3A_563 = arith.constant 4 : i32
        %add3A_564 = arith.addi %add3A_340, %add3A_563 : i32
        %dma_start3A_565 = arith.constant 0 : i32
        %dma_start3A_566 = tpu.memref_slice %arg6[%add3A_564, %dma_start3A_565] : memref<200x128xi32, #tpu.memory_space<vmem>> -> memref<1x128xi32, #tpu.memory_space<vmem>>
        %dma_start3A_567 = tpu.memref_squeeze %dma_start3A_566 : memref<1x128xi32, #tpu.memory_space<vmem>> -> memref<128xi32, #tpu.memory_space<vmem>>
        %dma_start3A_568 = arith.constant 0 : i32
        %dma_start3A_569 = arith.constant 0 : i32
        %dma_start3A_570 = tpu.memref_slice %arg3[%dma_start3A_568, %dma_start3A_569] : memref<1000000x64xf32, #tpu.memory_space<hbm>> -> memref<1000000x64xf32, #tpu.memory_space<hbm>>
        tpu.enqueue_indirect_dma source(%dma_start3A_570 : memref<1000000x64xf32, #tpu.memory_space<hbm>>) target(%arg8 : memref<128x64xf32, #tpu.memory_space<vmem>>) offsets(%dma_start3A_567 : memref<128xi32, #tpu.memory_space<vmem>>) semaphore(%arg16 : memref<!tpu.dma_semaphore, #tpu.memory_space<semaphore_mem>>)
      } else {
      }
      %mul3A_389 = arith.constant 4 : i32
      %mul3A_390 = arith.muli %mul3A_389, %scan3A_336 : i32
      %add3A_391 = arith.constant 1 : i32
      %add3A_392 = arith.addi %mul3A_390, %add3A_391 : i32
      %dma_wait3A_393 = arith.constant 0 : i32
      %dma_wait3A_394 = tpu.memref_slice %arg6[%add3A_392, %dma_wait3A_393] : memref<200x128xi32, #tpu.memory_space<vmem>> -> memref<1x128xi32, #tpu.memory_space<vmem>>
      %dma_wait3A_395 = tpu.memref_squeeze %dma_wait3A_394 : memref<1x128xi32, #tpu.memory_space<vmem>> -> memref<128xi32, #tpu.memory_space<vmem>>
      %dma_wait3A_396 = arith.constant 0 : i32
      %dma_wait3A_397 = arith.constant 0 : i32
      %dma_wait3A_398 = tpu.memref_slice %arg3[%dma_wait3A_396, %dma_wait3A_397] : memref<1000000x64xf32, #tpu.memory_space<hbm>> -> memref<1000000x64xf32, #tpu.memory_space<hbm>>
      tpu.wait_indirect_dma semaphore(%arg17 : memref<!tpu.dma_semaphore, #tpu.memory_space<semaphore_mem>>) src(%dma_wait3A_398 : memref<1000000x64xf32, #tpu.memory_space<hbm>>) dst(%arg9 : memref<128x64xf32, #tpu.memory_space<vmem>>)
      %gt3A_399 = arith.constant 0 : i32
      %gt3A_400 = arith.cmpi sgt, %scan3A_336, %gt3A_399 : i32
      %convert_element_type3A_401 = arith.extui %gt3A_400 : i1 to i32
      %cond3A_402 = arith.constant 0 : i32
      %cond3A_403 = arith.cmpi ne, %convert_element_type3A_401, %cond3A_402 : i32
      scf.if %cond3A_403 {
        %dma_wait3A_563 = arith.constant 0 : i32
        %dma_wait3A_564 = arith.constant 0 : i32
        %dma_wait3A_565 = arith.constant 0 : i32
        %dma_wait3A_566 = tpu.memref_slice %arg13[%dma_wait3A_563, %dma_wait3A_564, %dma_wait3A_565] : memref<8x8x129xf32, #tpu.memory_space<vmem>> -> memref<8x8x128xf32, #tpu.memory_space<vmem>>
        %dma_wait3A_567 = arith.constant 0 : i32
        %dma_wait3A_568 = arith.constant 0 : i32
        %dma_wait3A_569 = arith.constant 0 : i32
        %dma_wait3A_570 = tpu.memref_slice %arg5[%add3A_392, %dma_wait3A_567, %add3A, %dma_wait3A_568, %dma_wait3A_569] : memref<200x8x32x8x128xf32, #tpu.memory_space<hbm>> -> memref<1x8x1x8x128xf32, #tpu.memory_space<hbm>>
        %dma_wait3A_571 = tpu.memref_squeeze %dma_wait3A_570 : memref<1x8x1x8x128xf32, #tpu.memory_space<hbm>> -> memref<8x8x128xf32, #tpu.memory_space<hbm>>
        %dma_wait3A_572 = arith.constant 0 : i32
        %dma_wait3A_573 = arith.constant 0 : i32
        %dma_wait3A_574 = arith.constant 0 : i32
        %dma_wait3A_575 = tpu.memref_slice %arg5[%add3A_392, %dma_wait3A_572, %add3A, %dma_wait3A_573, %dma_wait3A_574] : memref<200x8x32x8x128xf32, #tpu.memory_space<hbm>> -> memref<1x8x1x8x128xf32, #tpu.memory_space<hbm>>
        %dma_wait3A_576 = tpu.memref_squeeze %dma_wait3A_575 : memref<1x8x1x8x128xf32, #tpu.memory_space<hbm>> -> memref<8x8x128xf32, #tpu.memory_space<hbm>>
        %dma_wait3A_577 = arith.constant 0 : i32
        %dma_wait3A_578 = arith.constant 0 : i32
        %dma_wait3A_579 = arith.constant 0 : i32
        %dma_wait3A_580 = tpu.memref_slice %arg13[%dma_wait3A_577, %dma_wait3A_578, %dma_wait3A_579] : memref<8x8x129xf32, #tpu.memory_space<vmem>> -> memref<8x8x128xf32, #tpu.memory_space<vmem>>
        tpu.wait_dma2 semaphore(%arg21 : memref<!tpu.dma_semaphore, #tpu.memory_space<semaphore_mem>>) src(%dma_wait3A_580 : memref<8x8x128xf32, #tpu.memory_space<vmem>>) dst(%dma_wait3A_576 : memref<8x8x128xf32, #tpu.memory_space<hbm>>)
      } else {
      }
      %get3A_404 = arith.index_cast %add3A_392 : i32 to index
      %get3A_405 = arith.constant 0 : index
      %get3A_406 = tpu.vector_load %arg7[%get3A_404, %get3A_405] {strides = array<i32>} : memref<200x64xf32, #tpu.memory_space<vmem>>, vector<16xf32>,
      %get3A_407 = arith.index_cast %add3A_392 : i32 to index
      %get3A_408 = arith.constant 16 : index
      %get3A_409 = tpu.vector_load %arg7[%get3A_407, %get3A_408] {strides = array<i32>} : memref<200x64xf32, #tpu.memory_space<vmem>>, vector<16xf32>,
      %get3A_410 = arith.index_cast %add3A_392 : i32 to index
      %get3A_411 = arith.constant 32 : index
      %get3A_412 = tpu.vector_load %arg7[%get3A_410, %get3A_411] {strides = array<i32>} : memref<200x64xf32, #tpu.memory_space<vmem>>, vector<16xf32>,
      %get3A_413 = arith.index_cast %add3A_392 : i32 to index
      %get3A_414 = arith.constant 48 : index
      %get3A_415 = tpu.vector_load %arg7[%get3A_413, %get3A_414] {strides = array<i32>} : memref<200x64xf32, #tpu.memory_space<vmem>>, vector<16xf32>,
      %broadcast_in_dim3A_416 = arith.constant 0 : i32
      %broadcast_in_dim3A_417 = vector.broadcast %broadcast_in_dim3A_416 : i32 to vector<16xi32>
      %parallel_loop3A_418 = arith.constant 0 : i32
      %parallel_loop3A_419 = arith.constant 128 : i32
      %parallel_loop3A_420 = arith.constant 1 : i32
      %parallel_loop3A_421:5 = scf.for %parallel_loop3A_563 = %parallel_loop3A_418 to %parallel_loop3A_419 step %parallel_loop3A_420 iter_args(%parallel_loop3A_564 = %broadcast_in_dim3A_417, %parallel_loop3A_565 = %get3A_406, %parallel_loop3A_566 = %get3A_409, %parallel_loop3A_567 = %get3A_412, %parallel_loop3A_568 = %get3A_415) -> (vector<16xi32>, vector<16xf32>, vector<16xf32>, vector<16xf32>, vector<16xf32>)  : i32 {
        %parallel_loop3A_569 = arith.index_cast %parallel_loop3A_563 : i32 to index
        %parallel_loop3A_570 = arith.constant 0 : index
        %parallel_loop3A_571 = tpu.vector_load %arg9[%parallel_loop3A_569, %parallel_loop3A_570] {strides = array<i32>} : memref<128x64xf32, #tpu.memory_space<vmem>>, vector<16xf32>,
        %parallel_loop3A_572 = arith.constant 8.000000e+00 : f32
        %parallel_loop3A_573 = vector.broadcast %parallel_loop3A_572 : f32 to vector<16xf32>
        %parallel_loop3A_574 = arith.mulf %parallel_loop3A_571, %parallel_loop3A_573 : vector<16xf32>
        %parallel_loop3A_575 = arith.addf %parallel_loop3A_574, %parallel_loop3A_565 : vector<16xf32>
        tpu.vector_store_idx %arg13[%select_n3A, %select_n3A_153, %parallel_loop3A_564], %parallel_loop3A_575 : memref<8x8x129xf32, #tpu.memory_space<vmem>>[vector<16xi32>, vector<16xi32>, vector<16xi32>], vector<16xf32>,
        %parallel_loop3A_576 = arith.index_cast %parallel_loop3A_563 : i32 to index
        %parallel_loop3A_577 = arith.constant 16 : index
        %parallel_loop3A_578 = tpu.vector_load %arg9[%parallel_loop3A_576, %parallel_loop3A_577] {strides = array<i32>} : memref<128x64xf32, #tpu.memory_space<vmem>>, vector<16xf32>,
        %parallel_loop3A_579 = arith.constant 8.000000e+00 : f32
        %parallel_loop3A_580 = vector.broadcast %parallel_loop3A_579 : f32 to vector<16xf32>
        %parallel_loop3A_581 = arith.mulf %parallel_loop3A_578, %parallel_loop3A_580 : vector<16xf32>
        %parallel_loop3A_582 = arith.addf %parallel_loop3A_581, %parallel_loop3A_566 : vector<16xf32>
        tpu.vector_store_idx %arg13[%select_n3A_62, %select_n3A_178, %parallel_loop3A_564], %parallel_loop3A_582 : memref<8x8x129xf32, #tpu.memory_space<vmem>>[vector<16xi32>, vector<16xi32>, vector<16xi32>], vector<16xf32>,
        %parallel_loop3A_583 = arith.index_cast %parallel_loop3A_563 : i32 to index
        %parallel_loop3A_584 = arith.constant 32 : index
        %parallel_loop3A_585 = tpu.vector_load %arg9[%parallel_loop3A_583, %parallel_loop3A_584] {strides = array<i32>} : memref<128x64xf32, #tpu.memory_space<vmem>>, vector<16xf32>,
        %parallel_loop3A_586 = arith.constant 8.000000e+00 : f32
        %parallel_loop3A_587 = vector.broadcast %parallel_loop3A_586 : f32 to vector<16xf32>
        %parallel_loop3A_588 = arith.mulf %parallel_loop3A_585, %parallel_loop3A_587 : vector<16xf32>
        %parallel_loop3A_589 = arith.addf %parallel_loop3A_588, %parallel_loop3A_567 : vector<16xf32>
        tpu.vector_store_idx %arg13[%select_n3A_96, %select_n3A_203, %parallel_loop3A_564], %parallel_loop3A_589 : memref<8x8x129xf32, #tpu.memory_space<vmem>>[vector<16xi32>, vector<16xi32>, vector<16xi32>], vector<16xf32>,
        %parallel_loop3A_590 = arith.index_cast %parallel_loop3A_563 : i32 to index
        %parallel_loop3A_591 = arith.constant 48 : index
        %parallel_loop3A_592 = tpu.vector_load %arg9[%parallel_loop3A_590, %parallel_loop3A_591] {strides = array<i32>} : memref<128x64xf32, #tpu.memory_space<vmem>>, vector<16xf32>,
        %parallel_loop3A_593 = arith.constant 8.000000e+00 : f32
        %parallel_loop3A_594 = vector.broadcast %parallel_loop3A_593 : f32 to vector<16xf32>
        %parallel_loop3A_595 = arith.mulf %parallel_loop3A_592, %parallel_loop3A_594 : vector<16xf32>
        %parallel_loop3A_596 = arith.addf %parallel_loop3A_595, %parallel_loop3A_568 : vector<16xf32>
        tpu.vector_store_idx %arg13[%select_n3A_130, %select_n3A_228, %parallel_loop3A_564], %parallel_loop3A_596 : memref<8x8x129xf32, #tpu.memory_space<vmem>>[vector<16xi32>, vector<16xi32>, vector<16xi32>], vector<16xf32>,
        %parallel_loop3A_597 = arith.constant 1 : i32
        %parallel_loop3A_598 = vector.broadcast %parallel_loop3A_597 : i32 to vector<16xi32>
        %parallel_loop3A_599 = arith.addi %parallel_loop3A_564, %parallel_loop3A_598 : vector<16xi32>
        scf.yield %parallel_loop3A_599, %parallel_loop3A_565, %parallel_loop3A_566, %parallel_loop3A_567, %parallel_loop3A_568 : vector<16xi32>, vector<16xf32>, vector<16xf32>, vector<16xf32>, vector<16xf32>
      } {sc.loop_unroll_factor = 4 : i64, sc.parallel_access}
      %dma_start3A_422 = arith.constant 0 : i32
      %dma_start3A_423 = arith.constant 0 : i32
      %dma_start3A_424 = arith.constant 0 : i32
      %dma_start3A_425 = tpu.memref_slice %arg13[%dma_start3A_422, %dma_start3A_423, %dma_start3A_424] : memref<8x8x129xf32, #tpu.memory_space<vmem>> -> memref<8x8x128xf32, #tpu.memory_space<vmem>>
      %dma_start3A_426 = arith.constant 0 : i32
      %dma_start3A_427 = arith.constant 0 : i32
      %dma_start3A_428 = arith.constant 0 : i32
      %dma_start3A_429 = tpu.memref_slice %arg5[%add3A_392, %dma_start3A_426, %add3A, %dma_start3A_427, %dma_start3A_428] : memref<200x8x32x8x128xf32, #tpu.memory_space<hbm>> -> memref<1x8x1x8x128xf32, #tpu.memory_space<hbm>>
      %dma_start3A_430 = tpu.memref_squeeze %dma_start3A_429 : memref<1x8x1x8x128xf32, #tpu.memory_space<hbm>> -> memref<8x8x128xf32, #tpu.memory_space<hbm>>
      %dma_start3A_431 = arith.constant 0 : i32
      %dma_start3A_432 = arith.constant 0 : i32
      %dma_start3A_433 = arith.constant 0 : i32
      %dma_start3A_434 = tpu.memref_slice %arg5[%add3A_392, %dma_start3A_431, %add3A, %dma_start3A_432, %dma_start3A_433] : memref<200x8x32x8x128xf32, #tpu.memory_space<hbm>> -> memref<1x8x1x8x128xf32, #tpu.memory_space<hbm>>
      %dma_start3A_435 = tpu.memref_squeeze %dma_start3A_434 : memref<1x8x1x8x128xf32, #tpu.memory_space<hbm>> -> memref<8x8x128xf32, #tpu.memory_space<hbm>>
      %dma_start3A_436 = arith.constant 0 : i32
      %dma_start3A_437 = arith.constant 0 : i32
      %dma_start3A_438 = arith.constant 0 : i32
      %dma_start3A_439 = tpu.memref_slice %arg13[%dma_start3A_436, %dma_start3A_437, %dma_start3A_438] : memref<8x8x129xf32, #tpu.memory_space<vmem>> -> memref<8x8x128xf32, #tpu.memory_space<vmem>>
      tpu.enqueue_dma source(%dma_start3A_439 : memref<8x8x128xf32, #tpu.memory_space<vmem>>) target(%dma_start3A_435 : memref<8x8x128xf32, #tpu.memory_space<hbm>>) target_semaphore(%arg21 : memref<!tpu.dma_semaphore, #tpu.memory_space<semaphore_mem>>)
      %add3A_440 = arith.constant 4 : i32
      %add3A_441 = arith.addi %add3A_392, %add3A_440 : i32
      %lt3A_442 = arith.constant 200 : i32
      %lt3A_443 = arith.cmpi slt, %add3A_441, %lt3A_442 : i32
      %convert_element_type3A_444 = arith.extui %lt3A_443 : i1 to i32
      %cond3A_445 = arith.constant 0 : i32
      %cond3A_446 = arith.cmpi ne, %convert_element_type3A_444, %cond3A_445 : i32
      scf.if %cond3A_446 {
        %add3A_563 = arith.constant 4 : i32
        %add3A_564 = arith.addi %add3A_392, %add3A_563 : i32
        %dma_start3A_565 = arith.constant 0 : i32
        %dma_start3A_566 = tpu.memref_slice %arg6[%add3A_564, %dma_start3A_565] : memref<200x128xi32, #tpu.memory_space<vmem>> -> memref<1x128xi32, #tpu.memory_space<vmem>>
        %dma_start3A_567 = tpu.memref_squeeze %dma_start3A_566 : memref<1x128xi32, #tpu.memory_space<vmem>> -> memref<128xi32, #tpu.memory_space<vmem>>
        %dma_start3A_568 = arith.constant 0 : i32
        %dma_start3A_569 = arith.constant 0 : i32
        %dma_start3A_570 = tpu.memref_slice %arg3[%dma_start3A_568, %dma_start3A_569] : memref<1000000x64xf32, #tpu.memory_space<hbm>> -> memref<1000000x64xf32, #tpu.memory_space<hbm>>
        tpu.enqueue_indirect_dma source(%dma_start3A_570 : memref<1000000x64xf32, #tpu.memory_space<hbm>>) target(%arg9 : memref<128x64xf32, #tpu.memory_space<vmem>>) offsets(%dma_start3A_567 : memref<128xi32, #tpu.memory_space<vmem>>) semaphore(%arg17 : memref<!tpu.dma_semaphore, #tpu.memory_space<semaphore_mem>>)
      } else {
      }
      %mul3A_447 = arith.constant 4 : i32
      %mul3A_448 = arith.muli %mul3A_447, %scan3A_336 : i32
      %add3A_449 = arith.constant 2 : i32
      %add3A_450 = arith.addi %mul3A_448, %add3A_449 : i32
      %dma_wait3A_451 = arith.constant 0 : i32
      %dma_wait3A_452 = tpu.memref_slice %arg6[%add3A_450, %dma_wait3A_451] : memref<200x128xi32, #tpu.memory_space<vmem>> -> memref<1x128xi32, #tpu.memory_space<vmem>>
      %dma_wait3A_453 = tpu.memref_squeeze %dma_wait3A_452 : memref<1x128xi32, #tpu.memory_space<vmem>> -> memref<128xi32, #tpu.memory_space<vmem>>
      %dma_wait3A_454 = arith.constant 0 : i32
      %dma_wait3A_455 = arith.constant 0 : i32
      %dma_wait3A_456 = tpu.memref_slice %arg3[%dma_wait3A_454, %dma_wait3A_455] : memref<1000000x64xf32, #tpu.memory_space<hbm>> -> memref<1000000x64xf32, #tpu.memory_space<hbm>>
      tpu.wait_indirect_dma semaphore(%arg18 : memref<!tpu.dma_semaphore, #tpu.memory_space<semaphore_mem>>) src(%dma_wait3A_456 : memref<1000000x64xf32, #tpu.memory_space<hbm>>) dst(%arg10 : memref<128x64xf32, #tpu.memory_space<vmem>>)
      %gt3A_457 = arith.constant 0 : i32
      %gt3A_458 = arith.cmpi sgt, %scan3A_336, %gt3A_457 : i32
      %convert_element_type3A_459 = arith.extui %gt3A_458 : i1 to i32
      %cond3A_460 = arith.constant 0 : i32
      %cond3A_461 = arith.cmpi ne, %convert_element_type3A_459, %cond3A_460 : i32
      scf.if %cond3A_461 {
        %dma_wait3A_563 = arith.constant 0 : i32
        %dma_wait3A_564 = arith.constant 0 : i32
        %dma_wait3A_565 = arith.constant 0 : i32
        %dma_wait3A_566 = tpu.memref_slice %arg14[%dma_wait3A_563, %dma_wait3A_564, %dma_wait3A_565] : memref<8x8x129xf32, #tpu.memory_space<vmem>> -> memref<8x8x128xf32, #tpu.memory_space<vmem>>
        %dma_wait3A_567 = arith.constant 0 : i32
        %dma_wait3A_568 = arith.constant 0 : i32
        %dma_wait3A_569 = arith.constant 0 : i32
        %dma_wait3A_570 = tpu.memref_slice %arg5[%add3A_450, %dma_wait3A_567, %add3A, %dma_wait3A_568, %dma_wait3A_569] : memref<200x8x32x8x128xf32, #tpu.memory_space<hbm>> -> memref<1x8x1x8x128xf32, #tpu.memory_space<hbm>>
        %dma_wait3A_571 = tpu.memref_squeeze %dma_wait3A_570 : memref<1x8x1x8x128xf32, #tpu.memory_space<hbm>> -> memref<8x8x128xf32, #tpu.memory_space<hbm>>
        %dma_wait3A_572 = arith.constant 0 : i32
        %dma_wait3A_573 = arith.constant 0 : i32
        %dma_wait3A_574 = arith.constant 0 : i32
        %dma_wait3A_575 = tpu.memref_slice %arg5[%add3A_450, %dma_wait3A_572, %add3A, %dma_wait3A_573, %dma_wait3A_574] : memref<200x8x32x8x128xf32, #tpu.memory_space<hbm>> -> memref<1x8x1x8x128xf32, #tpu.memory_space<hbm>>
        %dma_wait3A_576 = tpu.memref_squeeze %dma_wait3A_575 : memref<1x8x1x8x128xf32, #tpu.memory_space<hbm>> -> memref<8x8x128xf32, #tpu.memory_space<hbm>>
        %dma_wait3A_577 = arith.constant 0 : i32
        %dma_wait3A_578 = arith.constant 0 : i32
        %dma_wait3A_579 = arith.constant 0 : i32
        %dma_wait3A_580 = tpu.memref_slice %arg14[%dma_wait3A_577, %dma_wait3A_578, %dma_wait3A_579] : memref<8x8x129xf32, #tpu.memory_space<vmem>> -> memref<8x8x128xf32, #tpu.memory_space<vmem>>
        tpu.wait_dma2 semaphore(%arg22 : memref<!tpu.dma_semaphore, #tpu.memory_space<semaphore_mem>>) src(%dma_wait3A_580 : memref<8x8x128xf32, #tpu.memory_space<vmem>>) dst(%dma_wait3A_576 : memref<8x8x128xf32, #tpu.memory_space<hbm>>)
      } else {
      }
      %get3A_462 = arith.index_cast %add3A_450 : i32 to index
      %get3A_463 = arith.constant 0 : index
      %get3A_464 = tpu.vector_load %arg7[%get3A_462, %get3A_463] {strides = array<i32>} : memref<200x64xf32, #tpu.memory_space<vmem>>, vector<16xf32>,
      %get3A_465 = arith.index_cast %add3A_450 : i32 to index
      %get3A_466 = arith.constant 16 : index
      %get3A_467 = tpu.vector_load %arg7[%get3A_465, %get3A_466] {strides = array<i32>} : memref<200x64xf32, #tpu.memory_space<vmem>>, vector<16xf32>,
      %get3A_468 = arith.index_cast %add3A_450 : i32 to index
      %get3A_469 = arith.constant 32 : index
      %get3A_470 = tpu.vector_load %arg7[%get3A_468, %get3A_469] {strides = array<i32>} : memref<200x64xf32, #tpu.memory_space<vmem>>, vector<16xf32>,
      %get3A_471 = arith.index_cast %add3A_450 : i32 to index
      %get3A_472 = arith.constant 48 : index
      %get3A_473 = tpu.vector_load %arg7[%get3A_471, %get3A_472] {strides = array<i32>} : memref<200x64xf32, #tpu.memory_space<vmem>>, vector<16xf32>,
      %broadcast_in_dim3A_474 = arith.constant 0 : i32
      %broadcast_in_dim3A_475 = vector.broadcast %broadcast_in_dim3A_474 : i32 to vector<16xi32>
      %parallel_loop3A_476 = arith.constant 0 : i32
      %parallel_loop3A_477 = arith.constant 128 : i32
      %parallel_loop3A_478 = arith.constant 1 : i32
      %parallel_loop3A_479:5 = scf.for %parallel_loop3A_563 = %parallel_loop3A_476 to %parallel_loop3A_477 step %parallel_loop3A_478 iter_args(%parallel_loop3A_564 = %broadcast_in_dim3A_475, %parallel_loop3A_565 = %get3A_464, %parallel_loop3A_566 = %get3A_467, %parallel_loop3A_567 = %get3A_470, %parallel_loop3A_568 = %get3A_473) -> (vector<16xi32>, vector<16xf32>, vector<16xf32>, vector<16xf32>, vector<16xf32>)  : i32 {
        %parallel_loop3A_569 = arith.index_cast %parallel_loop3A_563 : i32 to index
        %parallel_loop3A_570 = arith.constant 0 : index
        %parallel_loop3A_571 = tpu.vector_load %arg10[%parallel_loop3A_569, %parallel_loop3A_570] {strides = array<i32>} : memref<128x64xf32, #tpu.memory_space<vmem>>, vector<16xf32>,
        %parallel_loop3A_572 = arith.constant 8.000000e+00 : f32
        %parallel_loop3A_573 = vector.broadcast %parallel_loop3A_572 : f32 to vector<16xf32>
        %parallel_loop3A_574 = arith.mulf %parallel_loop3A_571, %parallel_loop3A_573 : vector<16xf32>
        %parallel_loop3A_575 = arith.addf %parallel_loop3A_574, %parallel_loop3A_565 : vector<16xf32>
        tpu.vector_store_idx %arg14[%select_n3A, %select_n3A_153, %parallel_loop3A_564], %parallel_loop3A_575 : memref<8x8x129xf32, #tpu.memory_space<vmem>>[vector<16xi32>, vector<16xi32>, vector<16xi32>], vector<16xf32>,
        %parallel_loop3A_576 = arith.index_cast %parallel_loop3A_563 : i32 to index
        %parallel_loop3A_577 = arith.constant 16 : index
        %parallel_loop3A_578 = tpu.vector_load %arg10[%parallel_loop3A_576, %parallel_loop3A_577] {strides = array<i32>} : memref<128x64xf32, #tpu.memory_space<vmem>>, vector<16xf32>,
        %parallel_loop3A_579 = arith.constant 8.000000e+00 : f32
        %parallel_loop3A_580 = vector.broadcast %parallel_loop3A_579 : f32 to vector<16xf32>
        %parallel_loop3A_581 = arith.mulf %parallel_loop3A_578, %parallel_loop3A_580 : vector<16xf32>
        %parallel_loop3A_582 = arith.addf %parallel_loop3A_581, %parallel_loop3A_566 : vector<16xf32>
        tpu.vector_store_idx %arg14[%select_n3A_62, %select_n3A_178, %parallel_loop3A_564], %parallel_loop3A_582 : memref<8x8x129xf32, #tpu.memory_space<vmem>>[vector<16xi32>, vector<16xi32>, vector<16xi32>], vector<16xf32>,
        %parallel_loop3A_583 = arith.index_cast %parallel_loop3A_563 : i32 to index
        %parallel_loop3A_584 = arith.constant 32 : index
        %parallel_loop3A_585 = tpu.vector_load %arg10[%parallel_loop3A_583, %parallel_loop3A_584] {strides = array<i32>} : memref<128x64xf32, #tpu.memory_space<vmem>>, vector<16xf32>,
        %parallel_loop3A_586 = arith.constant 8.000000e+00 : f32
        %parallel_loop3A_587 = vector.broadcast %parallel_loop3A_586 : f32 to vector<16xf32>
        %parallel_loop3A_588 = arith.mulf %parallel_loop3A_585, %parallel_loop3A_587 : vector<16xf32>
        %parallel_loop3A_589 = arith.addf %parallel_loop3A_588, %parallel_loop3A_567 : vector<16xf32>
        tpu.vector_store_idx %arg14[%select_n3A_96, %select_n3A_203, %parallel_loop3A_564], %parallel_loop3A_589 : memref<8x8x129xf32, #tpu.memory_space<vmem>>[vector<16xi32>, vector<16xi32>, vector<16xi32>], vector<16xf32>,
        %parallel_loop3A_590 = arith.index_cast %parallel_loop3A_563 : i32 to index
        %parallel_loop3A_591 = arith.constant 48 : index
        %parallel_loop3A_592 = tpu.vector_load %arg10[%parallel_loop3A_590, %parallel_loop3A_591] {strides = array<i32>} : memref<128x64xf32, #tpu.memory_space<vmem>>, vector<16xf32>,
        %parallel_loop3A_593 = arith.constant 8.000000e+00 : f32
        %parallel_loop3A_594 = vector.broadcast %parallel_loop3A_593 : f32 to vector<16xf32>
        %parallel_loop3A_595 = arith.mulf %parallel_loop3A_592, %parallel_loop3A_594 : vector<16xf32>
        %parallel_loop3A_596 = arith.addf %parallel_loop3A_595, %parallel_loop3A_568 : vector<16xf32>
        tpu.vector_store_idx %arg14[%select_n3A_130, %select_n3A_228, %parallel_loop3A_564], %parallel_loop3A_596 : memref<8x8x129xf32, #tpu.memory_space<vmem>>[vector<16xi32>, vector<16xi32>, vector<16xi32>], vector<16xf32>,
        %parallel_loop3A_597 = arith.constant 1 : i32
        %parallel_loop3A_598 = vector.broadcast %parallel_loop3A_597 : i32 to vector<16xi32>
        %parallel_loop3A_599 = arith.addi %parallel_loop3A_564, %parallel_loop3A_598 : vector<16xi32>
        scf.yield %parallel_loop3A_599, %parallel_loop3A_565, %parallel_loop3A_566, %parallel_loop3A_567, %parallel_loop3A_568 : vector<16xi32>, vector<16xf32>, vector<16xf32>, vector<16xf32>, vector<16xf32>
      } {sc.loop_unroll_factor = 4 : i64, sc.parallel_access}
      %dma_start3A_480 = arith.constant 0 : i32
      %dma_start3A_481 = arith.constant 0 : i32
      %dma_start3A_482 = arith.constant 0 : i32
      %dma_start3A_483 = tpu.memref_slice %arg14[%dma_start3A_480, %dma_start3A_481, %dma_start3A_482] : memref<8x8x129xf32, #tpu.memory_space<vmem>> -> memref<8x8x128xf32, #tpu.memory_space<vmem>>
      %dma_start3A_484 = arith.constant 0 : i32
      %dma_start3A_485 = arith.constant 0 : i32
      %dma_start3A_486 = arith.constant 0 : i32
      %dma_start3A_487 = tpu.memref_slice %arg5[%add3A_450, %dma_start3A_484, %add3A, %dma_start3A_485, %dma_start3A_486] : memref<200x8x32x8x128xf32, #tpu.memory_space<hbm>> -> memref<1x8x1x8x128xf32, #tpu.memory_space<hbm>>
      %dma_start3A_488 = tpu.memref_squeeze %dma_start3A_487 : memref<1x8x1x8x128xf32, #tpu.memory_space<hbm>> -> memref<8x8x128xf32, #tpu.memory_space<hbm>>
      %dma_start3A_489 = arith.constant 0 : i32
      %dma_start3A_490 = arith.constant 0 : i32
      %dma_start3A_491 = arith.constant 0 : i32
      %dma_start3A_492 = tpu.memref_slice %arg5[%add3A_450, %dma_start3A_489, %add3A, %dma_start3A_490, %dma_start3A_491] : memref<200x8x32x8x128xf32, #tpu.memory_space<hbm>> -> memref<1x8x1x8x128xf32, #tpu.memory_space<hbm>>
      %dma_start3A_493 = tpu.memref_squeeze %dma_start3A_492 : memref<1x8x1x8x128xf32, #tpu.memory_space<hbm>> -> memref<8x8x128xf32, #tpu.memory_space<hbm>>
      %dma_start3A_494 = arith.constant 0 : i32
      %dma_start3A_495 = arith.constant 0 : i32
      %dma_start3A_496 = arith.constant 0 : i32
      %dma_start3A_497 = tpu.memref_slice %arg14[%dma_start3A_494, %dma_start3A_495, %dma_start3A_496] : memref<8x8x129xf32, #tpu.memory_space<vmem>> -> memref<8x8x128xf32, #tpu.memory_space<vmem>>
      tpu.enqueue_dma source(%dma_start3A_497 : memref<8x8x128xf32, #tpu.memory_space<vmem>>) target(%dma_start3A_493 : memref<8x8x128xf32, #tpu.memory_space<hbm>>) target_semaphore(%arg22 : memref<!tpu.dma_semaphore, #tpu.memory_space<semaphore_mem>>)
      %add3A_498 = arith.constant 4 : i32
      %add3A_499 = arith.addi %add3A_450, %add3A_498 : i32
      %lt3A_500 = arith.constant 200 : i32
      %lt3A_501 = arith.cmpi slt, %add3A_499, %lt3A_500 : i32
      %convert_element_type3A_502 = arith.extui %lt3A_501 : i1 to i32
      %cond3A_503 = arith.constant 0 : i32
      %cond3A_504 = arith.cmpi ne, %convert_element_type3A_502, %cond3A_503 : i32
      scf.if %cond3A_504 {
        %add3A_563 = arith.constant 4 : i32
        %add3A_564 = arith.addi %add3A_450, %add3A_563 : i32
        %dma_start3A_565 = arith.constant 0 : i32
        %dma_start3A_566 = tpu.memref_slice %arg6[%add3A_564, %dma_start3A_565] : memref<200x128xi32, #tpu.memory_space<vmem>> -> memref<1x128xi32, #tpu.memory_space<vmem>>
        %dma_start3A_567 = tpu.memref_squeeze %dma_start3A_566 : memref<1x128xi32, #tpu.memory_space<vmem>> -> memref<128xi32, #tpu.memory_space<vmem>>
        %dma_start3A_568 = arith.constant 0 : i32
        %dma_start3A_569 = arith.constant 0 : i32
        %dma_start3A_570 = tpu.memref_slice %arg3[%dma_start3A_568, %dma_start3A_569] : memref<1000000x64xf32, #tpu.memory_space<hbm>> -> memref<1000000x64xf32, #tpu.memory_space<hbm>>
        tpu.enqueue_indirect_dma source(%dma_start3A_570 : memref<1000000x64xf32, #tpu.memory_space<hbm>>) target(%arg10 : memref<128x64xf32, #tpu.memory_space<vmem>>) offsets(%dma_start3A_567 : memref<128xi32, #tpu.memory_space<vmem>>) semaphore(%arg18 : memref<!tpu.dma_semaphore, #tpu.memory_space<semaphore_mem>>)
      } else {
      }
      %mul3A_505 = arith.constant 4 : i32
      %mul3A_506 = arith.muli %mul3A_505, %scan3A_336 : i32
      %add3A_507 = arith.constant 3 : i32
      %add3A_508 = arith.addi %mul3A_506, %add3A_507 : i32
      %dma_wait3A_509 = arith.constant 0 : i32
      %dma_wait3A_510 = tpu.memref_slice %arg6[%add3A_508, %dma_wait3A_509] : memref<200x128xi32, #tpu.memory_space<vmem>> -> memref<1x128xi32, #tpu.memory_space<vmem>>
      %dma_wait3A_511 = tpu.memref_squeeze %dma_wait3A_510 : memref<1x128xi32, #tpu.memory_space<vmem>> -> memref<128xi32, #tpu.memory_space<vmem>>
      %dma_wait3A_512 = arith.constant 0 : i32
      %dma_wait3A_513 = arith.constant 0 : i32
      %dma_wait3A_514 = tpu.memref_slice %arg3[%dma_wait3A_512, %dma_wait3A_513] : memref<1000000x64xf32, #tpu.memory_space<hbm>> -> memref<1000000x64xf32, #tpu.memory_space<hbm>>
      tpu.wait_indirect_dma semaphore(%arg19 : memref<!tpu.dma_semaphore, #tpu.memory_space<semaphore_mem>>) src(%dma_wait3A_514 : memref<1000000x64xf32, #tpu.memory_space<hbm>>) dst(%arg11 : memref<128x64xf32, #tpu.memory_space<vmem>>)
      %gt3A_515 = arith.constant 0 : i32
      %gt3A_516 = arith.cmpi sgt, %scan3A_336, %gt3A_515 : i32
      %convert_element_type3A_517 = arith.extui %gt3A_516 : i1 to i32
      %cond3A_518 = arith.constant 0 : i32
      %cond3A_519 = arith.cmpi ne, %convert_element_type3A_517, %cond3A_518 : i32
      scf.if %cond3A_519 {
        %dma_wait3A_563 = arith.constant 0 : i32
        %dma_wait3A_564 = arith.constant 0 : i32
        %dma_wait3A_565 = arith.constant 0 : i32
        %dma_wait3A_566 = tpu.memref_slice %arg15[%dma_wait3A_563, %dma_wait3A_564, %dma_wait3A_565] : memref<8x8x129xf32, #tpu.memory_space<vmem>> -> memref<8x8x128xf32, #tpu.memory_space<vmem>>
        %dma_wait3A_567 = arith.constant 0 : i32
        %dma_wait3A_568 = arith.constant 0 : i32
        %dma_wait3A_569 = arith.constant 0 : i32
        %dma_wait3A_570 = tpu.memref_slice %arg5[%add3A_508, %dma_wait3A_567, %add3A, %dma_wait3A_568, %dma_wait3A_569] : memref<200x8x32x8x128xf32, #tpu.memory_space<hbm>> -> memref<1x8x1x8x128xf32, #tpu.memory_space<hbm>>
        %dma_wait3A_571 = tpu.memref_squeeze %dma_wait3A_570 : memref<1x8x1x8x128xf32, #tpu.memory_space<hbm>> -> memref<8x8x128xf32, #tpu.memory_space<hbm>>
        %dma_wait3A_572 = arith.constant 0 : i32
        %dma_wait3A_573 = arith.constant 0 : i32
        %dma_wait3A_574 = arith.constant 0 : i32
        %dma_wait3A_575 = tpu.memref_slice %arg5[%add3A_508, %dma_wait3A_572, %add3A, %dma_wait3A_573, %dma_wait3A_574] : memref<200x8x32x8x128xf32, #tpu.memory_space<hbm>> -> memref<1x8x1x8x128xf32, #tpu.memory_space<hbm>>
        %dma_wait3A_576 = tpu.memref_squeeze %dma_wait3A_575 : memref<1x8x1x8x128xf32, #tpu.memory_space<hbm>> -> memref<8x8x128xf32, #tpu.memory_space<hbm>>
        %dma_wait3A_577 = arith.constant 0 : i32
        %dma_wait3A_578 = arith.constant 0 : i32
        %dma_wait3A_579 = arith.constant 0 : i32
        %dma_wait3A_580 = tpu.memref_slice %arg15[%dma_wait3A_577, %dma_wait3A_578, %dma_wait3A_579] : memref<8x8x129xf32, #tpu.memory_space<vmem>> -> memref<8x8x128xf32, #tpu.memory_space<vmem>>
        tpu.wait_dma2 semaphore(%arg23 : memref<!tpu.dma_semaphore, #tpu.memory_space<semaphore_mem>>) src(%dma_wait3A_580 : memref<8x8x128xf32, #tpu.memory_space<vmem>>) dst(%dma_wait3A_576 : memref<8x8x128xf32, #tpu.memory_space<hbm>>)
      } else {
      }
      %get3A_520 = arith.index_cast %add3A_508 : i32 to index
      %get3A_521 = arith.constant 0 : index
      %get3A_522 = tpu.vector_load %arg7[%get3A_520, %get3A_521] {strides = array<i32>} : memref<200x64xf32, #tpu.memory_space<vmem>>, vector<16xf32>,
      %get3A_523 = arith.index_cast %add3A_508 : i32 to index
      %get3A_524 = arith.constant 16 : index
      %get3A_525 = tpu.vector_load %arg7[%get3A_523, %get3A_524] {strides = array<i32>} : memref<200x64xf32, #tpu.memory_space<vmem>>, vector<16xf32>,
      %get3A_526 = arith.index_cast %add3A_508 : i32 to index
      %get3A_527 = arith.constant 32 : index
      %get3A_528 = tpu.vector_load %arg7[%get3A_526, %get3A_527] {strides = array<i32>} : memref<200x64xf32, #tpu.memory_space<vmem>>, vector<16xf32>,
      %get3A_529 = arith.index_cast %add3A_508 : i32 to index
      %get3A_530 = arith.constant 48 : index
      %get3A_531 = tpu.vector_load %arg7[%get3A_529, %get3A_530] {strides = array<i32>} : memref<200x64xf32, #tpu.memory_space<vmem>>, vector<16xf32>,
      %broadcast_in_dim3A_532 = arith.constant 0 : i32
      %broadcast_in_dim3A_533 = vector.broadcast %broadcast_in_dim3A_532 : i32 to vector<16xi32>
      %parallel_loop3A_534 = arith.constant 0 : i32
      %parallel_loop3A_535 = arith.constant 128 : i32
      %parallel_loop3A_536 = arith.constant 1 : i32
      %parallel_loop3A_537:5 = scf.for %parallel_loop3A_563 = %parallel_loop3A_534 to %parallel_loop3A_535 step %parallel_loop3A_536 iter_args(%parallel_loop3A_564 = %broadcast_in_dim3A_533, %parallel_loop3A_565 = %get3A_522, %parallel_loop3A_566 = %get3A_525, %parallel_loop3A_567 = %get3A_528, %parallel_loop3A_568 = %get3A_531) -> (vector<16xi32>, vector<16xf32>, vector<16xf32>, vector<16xf32>, vector<16xf32>)  : i32 {
        %parallel_loop3A_569 = arith.index_cast %parallel_loop3A_563 : i32 to index
        %parallel_loop3A_570 = arith.constant 0 : index
        %parallel_loop3A_571 = tpu.vector_load %arg11[%parallel_loop3A_569, %parallel_loop3A_570] {strides = array<i32>} : memref<128x64xf32, #tpu.memory_space<vmem>>, vector<16xf32>,
        %parallel_loop3A_572 = arith.constant 8.000000e+00 : f32
        %parallel_loop3A_573 = vector.broadcast %parallel_loop3A_572 : f32 to vector<16xf32>
        %parallel_loop3A_574 = arith.mulf %parallel_loop3A_571, %parallel_loop3A_573 : vector<16xf32>
        %parallel_loop3A_575 = arith.addf %parallel_loop3A_574, %parallel_loop3A_565 : vector<16xf32>
        tpu.vector_store_idx %arg15[%select_n3A, %select_n3A_153, %parallel_loop3A_564], %parallel_loop3A_575 : memref<8x8x129xf32, #tpu.memory_space<vmem>>[vector<16xi32>, vector<16xi32>, vector<16xi32>], vector<16xf32>,
        %parallel_loop3A_576 = arith.index_cast %parallel_loop3A_563 : i32 to index
        %parallel_loop3A_577 = arith.constant 16 : index
        %parallel_loop3A_578 = tpu.vector_load %arg11[%parallel_loop3A_576, %parallel_loop3A_577] {strides = array<i32>} : memref<128x64xf32, #tpu.memory_space<vmem>>, vector<16xf32>,
        %parallel_loop3A_579 = arith.constant 8.000000e+00 : f32
        %parallel_loop3A_580 = vector.broadcast %parallel_loop3A_579 : f32 to vector<16xf32>
        %parallel_loop3A_581 = arith.mulf %parallel_loop3A_578, %parallel_loop3A_580 : vector<16xf32>
        %parallel_loop3A_582 = arith.addf %parallel_loop3A_581, %parallel_loop3A_566 : vector<16xf32>
        tpu.vector_store_idx %arg15[%select_n3A_62, %select_n3A_178, %parallel_loop3A_564], %parallel_loop3A_582 : memref<8x8x129xf32, #tpu.memory_space<vmem>>[vector<16xi32>, vector<16xi32>, vector<16xi32>], vector<16xf32>,
        %parallel_loop3A_583 = arith.index_cast %parallel_loop3A_563 : i32 to index
        %parallel_loop3A_584 = arith.constant 32 : index
        %parallel_loop3A_585 = tpu.vector_load %arg11[%parallel_loop3A_583, %parallel_loop3A_584] {strides = array<i32>} : memref<128x64xf32, #tpu.memory_space<vmem>>, vector<16xf32>,
        %parallel_loop3A_586 = arith.constant 8.000000e+00 : f32
        %parallel_loop3A_587 = vector.broadcast %parallel_loop3A_586 : f32 to vector<16xf32>
        %parallel_loop3A_588 = arith.mulf %parallel_loop3A_585, %parallel_loop3A_587 : vector<16xf32>
        %parallel_loop3A_589 = arith.addf %parallel_loop3A_588, %parallel_loop3A_567 : vector<16xf32>
        tpu.vector_store_idx %arg15[%select_n3A_96, %select_n3A_203, %parallel_loop3A_564], %parallel_loop3A_589 : memref<8x8x129xf32, #tpu.memory_space<vmem>>[vector<16xi32>, vector<16xi32>, vector<16xi32>], vector<16xf32>,
        %parallel_loop3A_590 = arith.index_cast %parallel_loop3A_563 : i32 to index
        %parallel_loop3A_591 = arith.constant 48 : index
        %parallel_loop3A_592 = tpu.vector_load %arg11[%parallel_loop3A_590, %parallel_loop3A_591] {strides = array<i32>} : memref<128x64xf32, #tpu.memory_space<vmem>>, vector<16xf32>,
        %parallel_loop3A_593 = arith.constant 8.000000e+00 : f32
        %parallel_loop3A_594 = vector.broadcast %parallel_loop3A_593 : f32 to vector<16xf32>
        %parallel_loop3A_595 = arith.mulf %parallel_loop3A_592, %parallel_loop3A_594 : vector<16xf32>
        %parallel_loop3A_596 = arith.addf %parallel_loop3A_595, %parallel_loop3A_568 : vector<16xf32>
        tpu.vector_store_idx %arg15[%select_n3A_130, %select_n3A_228, %parallel_loop3A_564], %parallel_loop3A_596 : memref<8x8x129xf32, #tpu.memory_space<vmem>>[vector<16xi32>, vector<16xi32>, vector<16xi32>], vector<16xf32>,
        %parallel_loop3A_597 = arith.constant 1 : i32
        %parallel_loop3A_598 = vector.broadcast %parallel_loop3A_597 : i32 to vector<16xi32>
        %parallel_loop3A_599 = arith.addi %parallel_loop3A_564, %parallel_loop3A_598 : vector<16xi32>
        scf.yield %parallel_loop3A_599, %parallel_loop3A_565, %parallel_loop3A_566, %parallel_loop3A_567, %parallel_loop3A_568 : vector<16xi32>, vector<16xf32>, vector<16xf32>, vector<16xf32>, vector<16xf32>
      } {sc.loop_unroll_factor = 4 : i64, sc.parallel_access}
      %dma_start3A_538 = arith.constant 0 : i32
      %dma_start3A_539 = arith.constant 0 : i32
      %dma_start3A_540 = arith.constant 0 : i32
      %dma_start3A_541 = tpu.memref_slice %arg15[%dma_start3A_538, %dma_start3A_539, %dma_start3A_540] : memref<8x8x129xf32, #tpu.memory_space<vmem>> -> memref<8x8x128xf32, #tpu.memory_space<vmem>>
      %dma_start3A_542 = arith.constant 0 : i32
      %dma_start3A_543 = arith.constant 0 : i32
      %dma_start3A_544 = arith.constant 0 : i32
      %dma_start3A_545 = tpu.memref_slice %arg5[%add3A_508, %dma_start3A_542, %add3A, %dma_start3A_543, %dma_start3A_544] : memref<200x8x32x8x128xf32, #tpu.memory_space<hbm>> -> memref<1x8x1x8x128xf32, #tpu.memory_space<hbm>>
      %dma_start3A_546 = tpu.memref_squeeze %dma_start3A_545 : memref<1x8x1x8x128xf32, #tpu.memory_space<hbm>> -> memref<8x8x128xf32, #tpu.memory_space<hbm>>
      %dma_start3A_547 = arith.constant 0 : i32
      %dma_start3A_548 = arith.constant 0 : i32
      %dma_start3A_549 = arith.constant 0 : i32
      %dma_start3A_550 = tpu.memref_slice %arg5[%add3A_508, %dma_start3A_547, %add3A, %dma_start3A_548, %dma_start3A_549] : memref<200x8x32x8x128xf32, #tpu.memory_space<hbm>> -> memref<1x8x1x8x128xf32, #tpu.memory_space<hbm>>
      %dma_start3A_551 = tpu.memref_squeeze %dma_start3A_550 : memref<1x8x1x8x128xf32, #tpu.memory_space<hbm>> -> memref<8x8x128xf32, #tpu.memory_space<hbm>>
      %dma_start3A_552 = arith.constant 0 : i32
      %dma_start3A_553 = arith.constant 0 : i32
      %dma_start3A_554 = arith.constant 0 : i32
      %dma_start3A_555 = tpu.memref_slice %arg15[%dma_start3A_552, %dma_start3A_553, %dma_start3A_554] : memref<8x8x129xf32, #tpu.memory_space<vmem>> -> memref<8x8x128xf32, #tpu.memory_space<vmem>>
      tpu.enqueue_dma source(%dma_start3A_555 : memref<8x8x128xf32, #tpu.memory_space<vmem>>) target(%dma_start3A_551 : memref<8x8x128xf32, #tpu.memory_space<hbm>>) target_semaphore(%arg23 : memref<!tpu.dma_semaphore, #tpu.memory_space<semaphore_mem>>)
      %add3A_556 = arith.constant 4 : i32
      %add3A_557 = arith.addi %add3A_508, %add3A_556 : i32
      %lt3A_558 = arith.constant 200 : i32
      %lt3A_559 = arith.cmpi slt, %add3A_557, %lt3A_558 : i32
      %convert_element_type3A_560 = arith.extui %lt3A_559 : i1 to i32
      %cond3A_561 = arith.constant 0 : i32
      %cond3A_562 = arith.cmpi ne, %convert_element_type3A_560, %cond3A_561 : i32
      scf.if %cond3A_562 {
        %add3A_563 = arith.constant 4 : i32
        %add3A_564 = arith.addi %add3A_508, %add3A_563 : i32
        %dma_start3A_565 = arith.constant 0 : i32
        %dma_start3A_566 = tpu.memref_slice %arg6[%add3A_564, %dma_start3A_565] : memref<200x128xi32, #tpu.memory_space<vmem>> -> memref<1x128xi32, #tpu.memory_space<vmem>>
        %dma_start3A_567 = tpu.memref_squeeze %dma_start3A_566 : memref<1x128xi32, #tpu.memory_space<vmem>> -> memref<128xi32, #tpu.memory_space<vmem>>
        %dma_start3A_568 = arith.constant 0 : i32
        %dma_start3A_569 = arith.constant 0 : i32
        %dma_start3A_570 = tpu.memref_slice %arg3[%dma_start3A_568, %dma_start3A_569] : memref<1000000x64xf32, #tpu.memory_space<hbm>> -> memref<1000000x64xf32, #tpu.memory_space<hbm>>
        tpu.enqueue_indirect_dma source(%dma_start3A_570 : memref<1000000x64xf32, #tpu.memory_space<hbm>>) target(%arg11 : memref<128x64xf32, #tpu.memory_space<vmem>>) offsets(%dma_start3A_567 : memref<128xi32, #tpu.memory_space<vmem>>) semaphore(%arg19 : memref<!tpu.dma_semaphore, #tpu.memory_space<semaphore_mem>>)
      } else {
      }
    }
    %scan3A_260 = arith.constant 50 : i32
    %dma_wait3A = arith.constant 196 : i32
    %dma_wait3A_261 = arith.constant 0 : i32
    %dma_wait3A_262 = arith.constant 0 : i32
    %dma_wait3A_263 = arith.constant 0 : i32
    %dma_wait3A_264 = tpu.memref_slice %arg12[%dma_wait3A_261, %dma_wait3A_262, %dma_wait3A_263] : memref<8x8x129xf32, #tpu.memory_space<vmem>> -> memref<8x8x128xf32, #tpu.memory_space<vmem>>
    %dma_wait3A_265 = arith.constant 0 : i32
    %dma_wait3A_266 = arith.constant 0 : i32
    %dma_wait3A_267 = arith.constant 0 : i32
    %dma_wait3A_268 = tpu.memref_slice %arg5[%dma_wait3A, %dma_wait3A_265, %add3A, %dma_wait3A_266, %dma_wait3A_267] : memref<200x8x32x8x128xf32, #tpu.memory_space<hbm>> -> memref<1x8x1x8x128xf32, #tpu.memory_space<hbm>>
    %dma_wait3A_269 = tpu.memref_squeeze %dma_wait3A_268 : memref<1x8x1x8x128xf32, #tpu.memory_space<hbm>> -> memref<8x8x128xf32, #tpu.memory_space<hbm>>
    %dma_wait3A_270 = arith.constant 0 : i32
    %dma_wait3A_271 = arith.constant 0 : i32
    %dma_wait3A_272 = arith.constant 0 : i32
    %dma_wait3A_273 = tpu.memref_slice %arg5[%dma_wait3A, %dma_wait3A_270, %add3A, %dma_wait3A_271, %dma_wait3A_272] : memref<200x8x32x8x128xf32, #tpu.memory_space<hbm>> -> memref<1x8x1x8x128xf32, #tpu.memory_space<hbm>>
    %dma_wait3A_274 = tpu.memref_squeeze %dma_wait3A_273 : memref<1x8x1x8x128xf32, #tpu.memory_space<hbm>> -> memref<8x8x128xf32, #tpu.memory_space<hbm>>
    %dma_wait3A_275 = arith.constant 0 : i32
    %dma_wait3A_276 = arith.constant 0 : i32
    %dma_wait3A_277 = arith.constant 0 : i32
    %dma_wait3A_278 = tpu.memref_slice %arg12[%dma_wait3A_275, %dma_wait3A_276, %dma_wait3A_277] : memref<8x8x129xf32, #tpu.memory_space<vmem>> -> memref<8x8x128xf32, #tpu.memory_space<vmem>>
    tpu.wait_dma2 semaphore(%arg20 : memref<!tpu.dma_semaphore, #tpu.memory_space<semaphore_mem>>) src(%dma_wait3A_278 : memref<8x8x128xf32, #tpu.memory_space<vmem>>) dst(%dma_wait3A_274 : memref<8x8x128xf32, #tpu.memory_space<hbm>>)
    %dma_wait3A_279 = arith.constant 197 : i32
    %dma_wait3A_280 = arith.constant 0 : i32
    %dma_wait3A_281 = arith.constant 0 : i32
    %dma_wait3A_282 = arith.constant 0 : i32
    %dma_wait3A_283 = tpu.memref_slice %arg13[%dma_wait3A_280, %dma_wait3A_281, %dma_wait3A_282] : memref<8x8x129xf32, #tpu.memory_space<vmem>> -> memref<8x8x128xf32, #tpu.memory_space<vmem>>
    %dma_wait3A_284 = arith.constant 0 : i32
    %dma_wait3A_285 = arith.constant 0 : i32
    %dma_wait3A_286 = arith.constant 0 : i32
    %dma_wait3A_287 = tpu.memref_slice %arg5[%dma_wait3A_279, %dma_wait3A_284, %add3A, %dma_wait3A_285, %dma_wait3A_286] : memref<200x8x32x8x128xf32, #tpu.memory_space<hbm>> -> memref<1x8x1x8x128xf32, #tpu.memory_space<hbm>>
    %dma_wait3A_288 = tpu.memref_squeeze %dma_wait3A_287 : memref<1x8x1x8x128xf32, #tpu.memory_space<hbm>> -> memref<8x8x128xf32, #tpu.memory_space<hbm>>
    %dma_wait3A_289 = arith.constant 0 : i32
    %dma_wait3A_290 = arith.constant 0 : i32
    %dma_wait3A_291 = arith.constant 0 : i32
    %dma_wait3A_292 = tpu.memref_slice %arg5[%dma_wait3A_279, %dma_wait3A_289, %add3A, %dma_wait3A_290, %dma_wait3A_291] : memref<200x8x32x8x128xf32, #tpu.memory_space<hbm>> -> memref<1x8x1x8x128xf32, #tpu.memory_space<hbm>>
    %dma_wait3A_293 = tpu.memref_squeeze %dma_wait3A_292 : memref<1x8x1x8x128xf32, #tpu.memory_space<hbm>> -> memref<8x8x128xf32, #tpu.memory_space<hbm>>
    %dma_wait3A_294 = arith.constant 0 : i32
    %dma_wait3A_295 = arith.constant 0 : i32
    %dma_wait3A_296 = arith.constant 0 : i32
    %dma_wait3A_297 = tpu.memref_slice %arg13[%dma_wait3A_294, %dma_wait3A_295, %dma_wait3A_296] : memref<8x8x129xf32, #tpu.memory_space<vmem>> -> memref<8x8x128xf32, #tpu.memory_space<vmem>>
    tpu.wait_dma2 semaphore(%arg21 : memref<!tpu.dma_semaphore, #tpu.memory_space<semaphore_mem>>) src(%dma_wait3A_297 : memref<8x8x128xf32, #tpu.memory_space<vmem>>) dst(%dma_wait3A_293 : memref<8x8x128xf32, #tpu.memory_space<hbm>>)
    %dma_wait3A_298 = arith.constant 198 : i32
    %dma_wait3A_299 = arith.constant 0 : i32
    %dma_wait3A_300 = arith.constant 0 : i32
    %dma_wait3A_301 = arith.constant 0 : i32
    %dma_wait3A_302 = tpu.memref_slice %arg14[%dma_wait3A_299, %dma_wait3A_300, %dma_wait3A_301] : memref<8x8x129xf32, #tpu.memory_space<vmem>> -> memref<8x8x128xf32, #tpu.memory_space<vmem>>
    %dma_wait3A_303 = arith.constant 0 : i32
    %dma_wait3A_304 = arith.constant 0 : i32
    %dma_wait3A_305 = arith.constant 0 : i32
    %dma_wait3A_306 = tpu.memref_slice %arg5[%dma_wait3A_298, %dma_wait3A_303, %add3A, %dma_wait3A_304, %dma_wait3A_305] : memref<200x8x32x8x128xf32, #tpu.memory_space<hbm>> -> memref<1x8x1x8x128xf32, #tpu.memory_space<hbm>>
    %dma_wait3A_307 = tpu.memref_squeeze %dma_wait3A_306 : memref<1x8x1x8x128xf32, #tpu.memory_space<hbm>> -> memref<8x8x128xf32, #tpu.memory_space<hbm>>
    %dma_wait3A_308 = arith.constant 0 : i32
    %dma_wait3A_309 = arith.constant 0 : i32
    %dma_wait3A_310 = arith.constant 0 : i32
    %dma_wait3A_311 = tpu.memref_slice %arg5[%dma_wait3A_298, %dma_wait3A_308, %add3A, %dma_wait3A_309, %dma_wait3A_310] : memref<200x8x32x8x128xf32, #tpu.memory_space<hbm>> -> memref<1x8x1x8x128xf32, #tpu.memory_space<hbm>>
    %dma_wait3A_312 = tpu.memref_squeeze %dma_wait3A_311 : memref<1x8x1x8x128xf32, #tpu.memory_space<hbm>> -> memref<8x8x128xf32, #tpu.memory_space<hbm>>
    %dma_wait3A_313 = arith.constant 0 : i32
    %dma_wait3A_314 = arith.constant 0 : i32
    %dma_wait3A_315 = arith.constant 0 : i32
    %dma_wait3A_316 = tpu.memref_slice %arg14[%dma_wait3A_313, %dma_wait3A_314, %dma_wait3A_315] : memref<8x8x129xf32, #tpu.memory_space<vmem>> -> memref<8x8x128xf32, #tpu.memory_space<vmem>>
    tpu.wait_dma2 semaphore(%arg22 : memref<!tpu.dma_semaphore, #tpu.memory_space<semaphore_mem>>) src(%dma_wait3A_316 : memref<8x8x128xf32, #tpu.memory_space<vmem>>) dst(%dma_wait3A_312 : memref<8x8x128xf32, #tpu.memory_space<hbm>>)
    %dma_wait3A_317 = arith.constant 199 : i32
    %dma_wait3A_318 = arith.constant 0 : i32
    %dma_wait3A_319 = arith.constant 0 : i32
    %dma_wait3A_320 = arith.constant 0 : i32
    %dma_wait3A_321 = tpu.memref_slice %arg15[%dma_wait3A_318, %dma_wait3A_319, %dma_wait3A_320] : memref<8x8x129xf32, #tpu.memory_space<vmem>> -> memref<8x8x128xf32, #tpu.memory_space<vmem>>
    %dma_wait3A_322 = arith.constant 0 : i32
    %dma_wait3A_323 = arith.constant 0 : i32
    %dma_wait3A_324 = arith.constant 0 : i32
    %dma_wait3A_325 = tpu.memref_slice %arg5[%dma_wait3A_317, %dma_wait3A_322, %add3A, %dma_wait3A_323, %dma_wait3A_324] : memref<200x8x32x8x128xf32, #tpu.memory_space<hbm>> -> memref<1x8x1x8x128xf32, #tpu.memory_space<hbm>>
    %dma_wait3A_326 = tpu.memref_squeeze %dma_wait3A_325 : memref<1x8x1x8x128xf32, #tpu.memory_space<hbm>> -> memref<8x8x128xf32, #tpu.memory_space<hbm>>
    %dma_wait3A_327 = arith.constant 0 : i32
    %dma_wait3A_328 = arith.constant 0 : i32
    %dma_wait3A_329 = arith.constant 0 : i32
    %dma_wait3A_330 = tpu.memref_slice %arg5[%dma_wait3A_317, %dma_wait3A_327, %add3A, %dma_wait3A_328, %dma_wait3A_329] : memref<200x8x32x8x128xf32, #tpu.memory_space<hbm>> -> memref<1x8x1x8x128xf32, #tpu.memory_space<hbm>>
    %dma_wait3A_331 = tpu.memref_squeeze %dma_wait3A_330 : memref<1x8x1x8x128xf32, #tpu.memory_space<hbm>> -> memref<8x8x128xf32, #tpu.memory_space<hbm>>
    %dma_wait3A_332 = arith.constant 0 : i32
    %dma_wait3A_333 = arith.constant 0 : i32
    %dma_wait3A_334 = arith.constant 0 : i32
    %dma_wait3A_335 = tpu.memref_slice %arg15[%dma_wait3A_332, %dma_wait3A_333, %dma_wait3A_334] : memref<8x8x129xf32, #tpu.memory_space<vmem>> -> memref<8x8x128xf32, #tpu.memory_space<vmem>>
    tpu.wait_dma2 semaphore(%arg23 : memref<!tpu.dma_semaphore, #tpu.memory_space<semaphore_mem>>) src(%dma_wait3A_335 : memref<8x8x128xf32, #tpu.memory_space<vmem>>) dst(%dma_wait3A_331 : memref<8x8x128xf32, #tpu.memory_space<hbm>>)
    return
  }
}

</mosaic_0001>

<sc_bundles>
// kernel: kernel.3.cloned.1.call-start
scs
__scs_entry_jumppad:
0x0: {  	(pc) =	sbr.rel $0x88, $3  }
0x1: {  	(tag) =	ssettag $0x0;
	lr =	simm.s32 $0x1  }
0x2: {  	[smem:$0x3F9F] =	sst lr;
	_ =	strace $0xD0000000  }
0x3: {  	_ = 	snop  }
0x4: {  	_ = 	snop  }
0x5: {  	_ = 	snop  }
0x6: {  	_ = 	snop  }
0x7: {  	_ = 	snop  }
__scs_overlays_trampoline_lowered:
0x8: {  	[smem:$0x3FAE] =	sst s0  }
0x9: {  	[smem:$0x3FAF] =	sst s1  }
0xa: {  	[smem:$0x3FB0] =	sst s2  }
0xb: {  	[smem:$0x3FB1] =	sst s3  }
0xc: {  	[smem:$0x3FB2] =	sst s4  }
0xd: {  	[smem:$0x3FB3] =	sst s5  }
0xe: {  	[smem:$0x3FB4] =	sst s6  }
0xf: {  	[smem:$0x3FB5] =	sst s7  }
0x10: {  	[smem:$0x3FB6] =	sst s8  }
0x11: {  	[smem:$0x3FB7] =	sst s9;
	s0 =	simm.s32 @!p0 $0x0  }
0x12: {  	s1 =	sld [smem:$0x3F9D];
	s0 =	simm.s32 @p0 $0x1  }
0x13: {  	[smem:$0x3FB8] =	sst s0;
	s0 =	simm.s32 @!p1 $0x0  }
0x14: {  	s2 =	sld [smem:$0x3F9C];
	s0 =	simm.s32 @p1 $0x1  }
0x15: {  	[smem:$0x3FB9] =	sst s0;
	s0 =	simm.s32 @!p2 $0x0  }
0x16: {  	s3 =	sld [smem:$0x3FDB];
	s0 =	simm.s32 @p2 $0x1  }
0x17: {  	s4 =	simm.s32 $0x1BF5;
	[smem:$0x3FBB] =	sst s0  }
0x18: {  	s0 =	sld [smem:$0x3F9E];
	_ =	swait.ge [sflag:s4], $0x0  }
0x19: {  	s7 =	sld [smem:$0x3F9F]  }
0x1a: {  	s8 =	sadd.s32 $0xFFFFE003, lr  }
0x1b: {  	s9 =	sadd.s32 $0xFFFFFEF7, lr;
	s5 =	simm.s32 $0xFFFFFFFF;
	p2 =	slt.u32 s8, $0xFFFFF086  }
0x1c: {  	p1 =	slt.u32 s9, $0xF7A;
	s5 =	simm.s32 @!p2 $0x0  }
0x1d: {  	s5 =	simm.s32 @p1 $0x1;
	p0 =	seq.s32 s7, s2  }
0x1e: {  	s7 =	smul.u32 @!p0 $0xF7A, s2;
	p2 =	seq.s32 @!p0 s5, $0x0  }
0x1f: {  	s9 =	smul.u32 $0xF7A, s1;
	s8 =	simm.s32 @!p0 $0x1BF5;
	p2 =	por !p2, p0  }
0x20: {  	[sflag:s8] =	ssyncset.s32 @!p0 $0xFFFFF086;
	s6 =	sadd.s32 @!p0 s3, s7;
	s7 =	simm.s32 @!p0 $0x108  }
0x21: {  	s3 =	sadd.s32 s3, s9;
	s6 =	sadd.s32 @!p0 $0x88, s6;
	s7 =	simm.s32 @p2 $0x1082  }
0x22: {  	[simem:s7], [sflag:s8] =	dma.local @!p0 [hbm:s6], $0xF7A  }
0x23: {  	s9 =	sor.u32 $0xD0000000, s2;
	s6 =	simm.s32 $0x108;
	_ =	swait.ge @!p0 [sflag:s8], $0x0  }
0x24: {  	s3 =	sadd.s32 $0x88, s3;
	s6 =	simm.s32 @!p1 $0x1082;
	[sflag:s4] =	ssyncset.s32 $0xFFFFF086  }
0x25: {  	[simem:s6], [sflag:s4] =	dma.local [hbm:s3], $0xF7A  }
0x26: {  	[smem:$0x3F9F] =	sst s1;
	(tag) =	ssettag s2;
	_ =	strace s9  }
0x27: {  	s1 =	sld [smem:$0x3FAF]  }
0x28: {  	s2 =	sld [smem:$0x3FB0]  }
0x29: {  	s4 =	sld [smem:$0x3FB2]  }
0x2a: {  	p0 =	seq.s32 s5, $0x0;
	s5 =	sld [smem:$0x3FB3]  }
0x2b: {  	s6 =	sld [smem:$0x3FB4]  }
0x2c: {  	s7 =	sld [smem:$0x3FB5]  }
0x2d: {  	s3 =	simm.s32 $0x108;
	s8 =	sld [smem:$0x3FB6]  }
0x2e: {  	s3 =	simm.s32 @!p0 $0x1082;
	s9 =	sld [smem:$0x3FB7]  }
0x2f: {  	lr =	sadd.s32 s0, s3;
	s0 =	sld [smem:$0x3FAE]  }
0x30: {  	s3 =	sld [smem:$0x3FB1]  }
0x31: {  	[smem:$0x3FBA] =	sst s10  }
0x32: {  	s10 =	sld [smem:$0x3FB8];
	_ =	sdelay $0x3  }
0x33: {  	p0 =	seq.s32 s10, $0x1;
	s10 =	sld [smem:$0x3FBA];
	_ =	sdelay $0x3  }
0x34: {  	[smem:$0x3FBA] =	sst s10  }
0x35: {  	s10 =	sld [smem:$0x3FB9];
	_ =	sdelay $0x3  }
0x36: {  	p1 =	seq.s32 s10, $0x1;
	s10 =	sld [smem:$0x3FBA];
	_ =	sdelay $0x3  }
0x37: {  	[smem:$0x3FBA] =	sst s10  }
0x38: {  	s10 =	sld [smem:$0x3FBB]  }
0x39: {  	_ = 	snop;
	(pc) =	sbr.ind lr, $3  }
0x3a: {  	_ = 	snop  }
0x3b: {  	_ = 	snop  }
0x3c: {  	p2 =	seq.s32 s10, $0x1;
	s10 =	sld [smem:$0x3FBA]  }
0x3d: {  	_ =	shalt  }
0x3e: {  	_ =	shalt  }
0x3f: {  	_ =	shalt  }
0x40: {  	_ =	shalt  }
0x41: {  	_ =	shalt  }
0x42: {  	_ =	shalt  }
0x43: {  	_ =	shalt  }
0x44: {  	_ =	shalt  }
0x45: {  	_ =	shalt  }
0x46: {  	_ =	shalt  }
0x47: {  	_ =	shalt  }
0x48: {  	_ =	shalt  }
0x49: {  	_ =	shalt  }
0x4a: {  	_ =	shalt  }
0x4b: {  	_ =	shalt  }
0x4c: {  	_ =	shalt  }
0x4d: {  	_ =	shalt  }
0x4e: {  	_ =	shalt  }
0x4f: {  	_ =	shalt  }
0x50: {  	_ =	shalt  }
0x51: {  	_ =	shalt  }
0x52: {  	_ =	shalt  }
0x53: {  	_ =	shalt  }
0x54: {  	_ =	shalt  }
0x55: {  	_ =	shalt  }
0x56: {  	_ =	shalt  }
0x57: {  	_ =	shalt  }
0x58: {  	_ =	shalt  }
0x59: {  	_ =	shalt  }
0x5a: {  	_ =	shalt  }
0x5b: {  	_ =	shalt  }
0x5c: {  	_ =	shalt  }
0x5d: {  	_ =	shalt  }
0x5e: {  	_ =	shalt  }
0x5f: {  	_ =	shalt  }
0x60: {  	_ =	shalt  }
0x61: {  	_ =	shalt  }
0x62: {  	_ =	shalt  }
0x63: {  	_ =	shalt  }
0x64: {  	_ =	shalt  }
0x65: {  	_ =	shalt  }
0x66: {  	_ =	shalt  }
0x67: {  	_ =	shalt  }
0x68: {  	_ =	shalt  }
0x69: {  	_ =	shalt  }
0x6a: {  	_ =	shalt  }
0x6b: {  	_ =	shalt  }
0x6c: {  	_ =	shalt  }
0x6d: {  	_ =	shalt  }
0x6e: {  	_ =	shalt  }
0x6f: {  	_ =	shalt  }
0x70: {  	_ =	shalt  }
0x71: {  	_ =	shalt  }
0x72: {  	_ =	shalt  }
0x73: {  	_ =	shalt  }
0x74: {  	_ =	shalt  }
0x75: {  	_ =	shalt  }
0x76: {  	_ =	shalt  }
0x77: {  	_ =	shalt  }
0x78: {  	_ =	shalt  }
0x79: {  	_ =	shalt  }
0x7a: {  	_ =	shalt  }
0x7b: {  	_ =	shalt  }
0x7c: {  	_ =	shalt  }
0x7d: {  	_ =	shalt  }
0x7e: {  	_ =	shalt  }
0x7f: {  	_ =	shalt  }
0x80: {  	_ =	shalt  }
0x81: {  	_ =	shalt  }
0x82: {  	_ =	shalt  }
0x83: {  	_ =	shalt  }
0x84: {  	_ =	shalt  }
0x85: {  	_ =	shalt  }
0x86: {  	_ =	shalt  }
0x87: {  	_ =	shalt  }
.Lfunc_end0:
.L_simem_size_0:
called_computation_lowered:
.L_overlay_start_0:
0x88: {  	s2 =	sld [smem:$0x3FD9]  }
0x89: {  	s3 =	sld [smem:$0x3FFE];
	_ =	sdelay $0x1  }
0x8a: {  	s1 =	srdreg.scid  }
0x8b: {  	s0 =	sand.u32 $0x1, s1  }
0x8c: {  	s17 =	sshll.u32 s0, $0xA;
	s2 =	sadd.s32 s3, s2  }
0x8d: {  	s2 =	sadd.s32 s2, s17  }
0x8e: {  	[smem:$0x3FC6] =	sst s2  }
0x8f: {  	_ = 	snop  }
0x90: {  	s2 =	sld [smem:$0x3FD0];
	(tm) =	ssettm $0x1  }
0x91: {  	s18 =	sld [smem:$0x3FFB];
	_ =	sdelay $0x3  }
0x92: {  	_ =	strace s18  }
0x93: {  	s3 =	sld [smem:$0x3FFC];
	_ =	sdelay $0x3  }
0x94: {  	_ =	strace s3  }
0x95: {  	s3 =	sld [smem:$0x3FFD];
	_ =	sdelay $0x3  }
0x96: {  	_ =	strace s3  }
0x97: {  	_ =	strace $0x8FFFFFFF  }
0x98: {  	s19 =	sld [smem:$0x3FDB];
	_ =	sdelay $0x1  }
0x99: {  	s4 =	simm.s32 $_scs_section_size  }
0x9a: {  	s5 =	simm.s32 $_size__tile_overlayer_lowered;
	s6 =	simm.s32 $_tile_overlayer_lowered  }
0x9b: {  	s22 =	simm.s32 $0x1BFF;
	s21 =	sshll.u32 s6, $0x1;
	s3 =	sadd.s32 s4, s19  }
0x9c: {  	s7 =	simm.s32 $0x0;
	s20 =	sshll.u32 s5, $0x1;
	s5 =	sadd.s32 s21, s3  }
0x9d: {  	[timem:s7], [sflag:s22] =	dma.local [hbm:s5], s20  }
0x9e: {  	_ =	swait.ge [sflag:s22], s20  }
0x9f: {  	s4 =	ssub.s32 $0x0, s20;
	[sflag:s22] =	ssyncset.done $0x0  }
0xa0: {  	[sflag:s22] =	ssyncadd.s32 s4;
	_ =	sdelay $0x1  }
0xa1: {  	s23 =	simm.s32 $0x1B8B  }
0xa2: {  	_ =	swait.ge [sflag:s23], $0x1  }
0xa3: {  	[sflag:s23] =	ssyncset.done $0x0  }
0xa4: {  	s25 =	simm.s32 $0x1B8E;
	s24 =	sld [smem:$0x3FFE];
	[sflag:s23] =	ssyncadd.s32 $0xFFFFFFFF  }
0xa5: {  	s26 =	simm.s32 $execute0_lowered;
	[smem:$0x3FD2] =	sst s25  }
0xa6: {  	s5 =	sshll.u32 s26, $0x1;
	_ =	strace $0x80000046;
	[dreg:$0x1] =	wrdreg $0xFFFFFFFF  }
0xa7: {  	s28 =	simm.s32 $_size_execute0_lowered;
	s3 =	sadd.s32 s3, s5;
	[dreg:$0x0] =	wrdreg $0x0  }
0xa8: {  	s5 =	sshll.u32 s28, $0x1;
	[dreg:$0x2] =	wrdreg s3  }
0xa9: {  	[dreg:$0x3] =	wrdreg s5  }
0xaa: {  	[dreg:$0x4] =	wrdreg $0xC0  }
0xab: {  	_ =	task [dreg:s7], $0x5FFFF  }
0xac: {  	[dreg:$0x1] =	wrdreg $0xFFFFFFFF  }
0xad: {  	[dreg:$0x0] =	wrdreg $0x60  }
0xae: {  	[dreg:$0x2] =	wrdreg s24  }
0xaf: {  	[dreg:$0x3] =	wrdreg s2  }
0xb0: {  	[dreg:$0x4] =	wrdreg $0x9  }
0xb1: {  	_ =	task.clear_ibuf [dreg:s7], $0x5FFFF;
	_ =	strace $0x90000046  }
0xb2: {  	s29 =	simm.s32 $0x9;
	_ =	strace $0x80000048  }
0xb3: {  	_ =	swait.ge [sflag:s29], $0x1  }
0xb4: {  	[sflag:s29] =	ssyncadd.s32 $0xFFFFFFFF  }
0xb5: {  	_ =	strace $0x90000048  }
0xb6: {  	_ =	sfence  }
0xb7: {  	s30 =	sld [smem:$0x0];
	_ =	sdelay $0x2  }
0xb8: {  	s31 =	sshll.u32 s1, $0xD;
	s1 =	sshrl.u32 s1, $0x2  }
0xb9: {  	s3 =	sand.u32 $0x4000, s31;
	s1 =	sadd.s32 s1, s30  }
0xba: {  	s0 =	sor.u32 s3, s0;
	s1 =	sshll.u32 s1, $0x11  }
0xbb: {  	s0 =	sor.u32 s1, s0  }
0xbc: {  	s0 =	sadd.s32 $0x8F2B, s0  }
0xbd: {  	[sflag:s0] =	ssyncadd.remote.s32 $0x1  }
0xbe: {  	_ =	sfence.sel $0xFFFF  }
0xbf: {  	[dreg:$0x0] =	wrdreg $0xFFFFFFFF;
	(pc) =	sbr.abs _section_cstart, $3  }
0xc0: {  	[dreg:$0x1] =	wrdreg $0xFFFFFFFF  }
0xc1: {  	_ =	task.clear_ibuf [dreg:s7], $0x2FFFF;
	_ =	strace $0x9FFFFFFF  }
0xc2: {  	(tm) =	ssettm $0x7FFFFFFF  }
0xc3: {  	_ =	shalt  }
tec
execute0_lowered:
.L_overlay_start_1:
0x0: {  	(tag) =	ssettag $0x1  }
0x1: {  	s1 =	rddreg [dreg:$0x0]  }
0x2: {  	s0 =	srdreg.scid;
	s2 =	rddreg [dreg:$0x1]  }
0x3: {  	s5 =	stileid.u32;
	s3 =	simm.s32 $0x0;
	s9 =	simm.s32 $0x80  }
0x4: {  	s11 =	simm.s32 $0x9;
	s18 =	simm.s32 $0xF600;
	s19 =	simm.s32 $0x1  }
0x5: {  	s20 =	simm.s32 $0x11600;
	s21 =	simm.s32 $0x2;
	s22 =	simm.s32 $0x13800  }
0x6: {  	s23 =	simm.s32 $0x3;
	s24 =	simm.s32 $0x15A00;
	s28 =	simm.s32 $0x5  }
0x7: {  	s29 =	simm.s32 $0x6;
	s30 =	simm.s32 $0x7;
	s0 =	sand.u32 $0x1, s0  }
0x8: {  	s31 =	simm.s32 $0x8;
	[smem:$0x7FF] =	sst s3;
	s4 =	sshll.u32 s0, $0x4  }
0x9: {  	_ =	strace $0x80000047;
	s0 =	ssub.s32 $0x2, s0;
	s7 =	sor.u32 s5, s4  }
.Ltmp0:
0xa: {  	s25 =	sshrl.u32 s0, $0x1;
	s4 =	sshll.u32 s7, $0x4;
	(pc) =	sbr.rel .LBB2_1-.Ltmp0, $4  }
0xb: {  	v0 =	vlaneseq.u32;
	s0 =	ssub.s32 s0, s25;
	s7 =	sshll.u32 s7, $0xA;
	s25 =	simm.s32 $0x4  }
0xc: {  	v0 =	vmul.u32 $0x88, v0;
	s6 =	sadd.s32 s4, s1;
	s4 =	sadd.s32 $0xF42C00, s1;
	s1 =	sadd.s32 $0x19800, s1  }
0xd: {  	s8 =	smax.u32 s0, $0x1;
	[dreg:$0x3] =	wrdreg s1;
	s26 =	sadd.s32 $0x800, s6  }
0xe: {  	v1 =	vadd.s32 $0x880, v0;
	v2 =	vadd.s32 $0x1100, v0;
	v3 =	vadd.s32 $0x1980, v0;
	s0 =	simm.s32 $0x0;
	[dreg:$0x4] =	wrdreg s26;
	s26 =	simm.s32 $0x17C00  }
.LBB2_20:
0xf: {  	_ =	swait.ge [sflag:s28], $0x2000  }
0x10: {  	[sflag:s28] =	ssyncset.done $0x0  }
0x11: {  	[sflag:s28] =	ssyncadd.s32 $0xFFFFE000  }
0x12: {  	_ =	swait.ge [sflag:s29], $0x2000  }
0x13: {  	[sflag:s29] =	ssyncset.done $0x0  }
0x14: {  	s0 =	sadd.s32 $0x1, s0;
	[sflag:s29] =	ssyncadd.s32 $0xFFFFE000  }
0x15: {  	p0 =	sne.s32 s0, s8;
	_ =	swait.ge [sflag:s30], $0x2000  }
.Ltmp1:
0x16: {  	[sflag:s30] =	ssyncset.done $0x0;
	(pc) =	sbr.rel @!p0 .LBB2_21-.Ltmp1, $4  }
0x17: {  	[sflag:s30] =	ssyncadd.s32 $0xFFFFE000  }
0x18: {  	_ =	swait.ge [sflag:s31], $0x2000  }
0x19: {  	[sflag:s31] =	ssyncset.done $0x0  }
0x1a: {  	[sflag:s31] =	ssyncadd.s32 $0xFFFFE000  }
.LBB2_1:
0x1b: {  	s1 =	rddreg [dreg:$0x4];
	s5 =	simm.s32 $0x1000  }
0x1c: {  	[tilespmem:s3], [sflag:$0x9] =	stream.strided.gather [hbm4b:s1+s9], $0x6400, s5, s9, $0x38;
	[tilespmem:$0x19E00] =	vst v63  }
0x1d: {  	_ =	swait.ge [sflag:s11], $0x6400  }
0x1e: {  	[sflag:s11] =	ssyncset.done $0x0  }
0x1f: {  	s12 =	simm.s32 $0x6400;
	s10 =	rddreg [dreg:$0x3];
	[sflag:s11] =	ssyncadd.s32 $0xFFFF9C00  }
0x20: {  	[tilespmem:s12], [sflag:$0x9] =	stream.linear.gather [hbm4b:s10+s3], $0x3200, $0x38;
	[tilespmem:$0x19E00] =	vst v63  }
0x21: {  	_ =	swait.ge [sflag:s11], $0x3200  }
0x22: {  	[sflag:s11] =	ssyncset.done $0x0  }
0x23: {  	s13 =	simm.s32 $0x9600;
	[sflag:s11] =	ssyncadd.s32 $0xFFFFCE00  }
0x24: {  	[tilespmem:s13], [sflag:$0x1] =	stream.indirect.gather [hbm4b:s4+s9], $0x40, s3, s9, $0xb8;
	[tilespmem:$0x19E00] =	vst v63  }
0x25: {  	s14 =	simm.s32 $0xB600  }
0x26: {  	[tilespmem:s14], [sflag:$0x2] =	stream.indirect.gather [hbm4b:s4+s9], $0x40, s9, s9, $0xb8;
	[tilespmem:$0x19E00] =	vst v63  }
0x27: {  	s15 =	simm.s32 $0x100;
	s16 =	simm.s32 $0xD600  }
0x28: {  	[tilespmem:s16], [sflag:$0x3] =	stream.indirect.gather [hbm4b:s4+s9], $0x40, s15, s9, $0xb8;
	[tilespmem:$0x19E00] =	vst v63  }
0x29: {  	s17 =	simm.s32 $0x180;
	s1 =	simm.s32 $0x0  }
0x2a: {  	[tilespmem:s18], [sflag:$0x4] =	stream.indirect.gather [hbm4b:s4+s9], $0x40, s17, s9, $0xb8;
	[tilespmem:$0x19E00] =	vst v63  }
.LBB2_2:
0x2b: {  	_ =	swait.ge [sflag:s19], $0x2000  }
0x2c: {  	p0 =	seq.s32 s1, $0x0;
	[sflag:s19] =	ssyncset.done $0x0  }
0x2d: {  	s10 =	simm.s32 @!p0 $0x5;
	[sflag:s19] =	ssyncadd.s32 $0xFFFFE000  }
0x2e: {  	_ =	swait.ge @!p0 [sflag:s10], $0x2000  }
0x2f: {  	[sflag:s10] =	ssyncset.done @!p0 $0x0  }
0x30: {  	s17 =	simm.s32 $0x9680;
	s12 =	sshll.u32 s1, $0x8;
	[sflag:s10] =	ssyncadd.s32 @!p0 $0xFFFFE000  }
0x31: {  	s12 =	sand.u32 $0x3FFFFF00, s12;
	v4 =	vld [tilespmem:s17+$0x40]  }
0x32: {  	v8 =	vimm.s32 $0x0;
	v6 =	vld [tilespmem:s12+$0x6400]  }
0x33: {  	v9 =	vand.u32 $0xFFFFFFF8, v8;
	v10 =	vand.u32 $0x4, v8;
	v11 =	vld [tilespmem:s17+$0xFFFFFFC0]  }
0x34: {  	v12 =	vadd.s32 v0, v9;
	v13 =	vor.u32 $0x3, v10;
	v14 =	vld [tilespmem:s17+$0x0]  }
0x35: {  	v15 =	vor.u32 v13, v12;
	v16 =	vld [tilespmem:s17+$0xFFFFFF80]  }
0x36: {  	v19 =	vor.u32 $0x1, v10;
	v4 =	vmul.f32 $8.000000000e+00, v4  }
0x37: {  	v22 =	vor.u32 $0x2, v10;
	v17 =	vor.u32 v19, v12  }
0x38: {  	v20 =	vor.u32 v22, v12;
	v7 =	vld [tilespmem:s12+$0x6410];
	v11 =	vmul.f32 $8.000000000e+00, v11;
	v18 =	vadd.f32 v4, v6  }
0x39: {  	v12 =	vor.u32 v10, v12;
	v5 =	vld [tilespmem:s12+$0x6420];
	v14 =	vmul.f32 $8.000000000e+00, v14  }
0x3a: {  	v4 =	vld [tilespmem:s12+$0x6430];
	v11 =	vadd.f32 v11, v6;
	[tilespmem:v15+s20+$0x0] =	vst.idx.msk $0xffff, v18;
	v15 =	vmul.f32 $8.000000000e+00, v16  }
0x3b: {  	v14 =	vadd.f32 v14, v6;
	v16 =	vld [tilespmem:s17+$0x50]  }
0x3c: {  	[tilespmem:v17+s20+$0x0] =	vst.idx.msk $0xffff, v11;
	v15 =	vadd.f32 v15, v6  }
0x3d: {  	[tilespmem:v20+s20+$0x0] =	vst.idx.msk $0xffff, v14;
	v11 =	vld [tilespmem:s17+$0xFFFFFFD0]  }
0x3e: {  	v14 =	vadd.s32 v1, v9;
	[tilespmem:v12+s20+$0x0] =	vst.idx.msk $0xffff, v15  }
0x3f: {  	v15 =	vor.u32 v13, v14;
	v17 =	vld [tilespmem:s17+$0xFFFFFF90]  }
0x40: {  	v16 =	vmul.f32 $8.000000000e+00, v16;
	_ =	sdelay $0x1  }
0x41: {  	v24 =	vor.u32 v19, v14;
	v12 =	vld [tilespmem:s17+$0x10];
	v11 =	vmul.f32 $8.000000000e+00, v11;
	v16 =	vadd.f32 v16, v7  }
0x42: {  	s13 =	simm.s32 $0x9780;
	v23 =	vor.u32 v10, v14  }
0x43: {  	v26 =	vadd.s32 $0x4, v8;
	v8 =	vadd.f32 v11, v7;
	v11 =	vld [tilespmem:s13+$0xFFFFFFC0];
	[tilespmem:v15+s20+$0x0] =	vst.idx.msk $0xffff, v16;
	v16 =	vmul.f32 $8.000000000e+00, v17  }
0x44: {  	v20 =	vand.u32 $0xFFFFFFF8, v26;
	v15 =	vld [tilespmem:s13+$0x40]  }
0x45: {  	v14 =	vor.u32 v22, v14;
	v17 =	vand.u32 $0x4, v26;
	v25 =	vld [tilespmem:s17+$0x60];
	v16 =	vadd.f32 v16, v7  }
0x46: {  	v28 =	vld [tilespmem:s13+$0x0];
	v27 =	vadd.s32 v0, v20;
	v12 =	vmul.f32 $8.000000000e+00, v12;
	[tilespmem:v24+s20+$0x0] =	vst.idx.msk $0xffff, v8;
	v18 =	vor.u32 $0x1, v17  }
0x47: {  	v31 =	vadd.s32 v2, v9;
	v29 =	vld [tilespmem:s13+$0xFFFFFF80];
	v21 =	vor.u32 $0x3, v17;
	v24 =	vor.u32 v18, v27;
	[tilespmem:v23+s20+$0x0] =	vst.idx.msk $0xffff, v16  }
0x48: {  	v12 =	vadd.f32 v12, v7;
	v30 =	vor.u32 v21, v27;
	v11 =	vmul.f32 $8.000000000e+00, v11;
	v23 =	vld [tilespmem:s17+$0xFFFFFFA0]  }
0x49: {  	v8 =	vor.u32 $0x2, v17;
	v33 =	vld [tilespmem:s17+$0xFFFFFFE0];
	v16 =	vor.u32 v13, v31;
	v15 =	vmul.f32 $8.000000000e+00, v15  }
0x4a: {  	v32 =	vor.u32 v8, v27;
	[tilespmem:v14+s20+$0x0] =	vst.idx.msk $0xffff, v12;
	v11 =	vadd.f32 v11, v6;
	v25 =	vmul.f32 $8.000000000e+00, v25  }
0x4b: {  	v12 =	vor.u32 v17, v27;
	v14 =	vmul.f32 $8.000000000e+00, v28;
	v27 =	vld [tilespmem:s17+$0x20];
	v15 =	vadd.f32 v15, v6  }
0x4c: {  	v28 =	vmul.f32 $8.000000000e+00, v29;
	[tilespmem:v24+s20+$0x0] =	vst.idx.msk $0xffff, v11;
	v25 =	vadd.f32 v25, v5  }
0x4d: {  	v14 =	vadd.f32 v14, v6;
	v24 =	vor.u32 v19, v31;
	[tilespmem:v30+s20+$0x0] =	vst.idx.msk $0xffff, v15;
	v30 =	vld [tilespmem:s13+$0xFFFFFFD0];
	v23 =	vmul.f32 $8.000000000e+00, v23  }
0x4e: {  	v29 =	vmul.f32 $8.000000000e+00, v33;
	v15 =	vld [tilespmem:s13+$0x50];
	[tilespmem:v16+s20+$0x0] =	vst.idx.msk $0xffff, v25;
	v16 =	vor.u32 v10, v31;
	v25 =	vadd.f32 v28, v6  }
0x4f: {  	v9 =	vadd.s32 v3, v9;
	[tilespmem:v32+s20+$0x0] =	vst.idx.msk $0xffff, v14;
	v11 =	vld [tilespmem:s17+$0x70];
	v14 =	vadd.f32 v23, v5  }
0x50: {  	[tilespmem:v12+s20+$0x0] =	vst.idx.msk $0xffff, v25;
	v12 =	vadd.s32 v1, v20;
	v23 =	vld [tilespmem:s13+$0x10];
	v25 =	vmul.f32 $8.000000000e+00, v27;
	v27 =	vadd.f32 v29, v5  }
0x51: {  	v34 =	vor.u32 v13, v9;
	v28 =	vor.u32 v22, v31;
	v29 =	vld [tilespmem:s13+$0xFFFFFF90];
	v31 =	vor.u32 v17, v12  }
0x52: {  	v47 =	vor.u32 v21, v12;
	v48 =	vor.u32 v18, v12;
	[tilespmem:v24+s20+$0x0] =	vst.idx.msk $0xffff, v27  }
0x53: {  	v35 =	vor.u32 v8, v12;
	v24 =	vadd.f32 v25, v5;
	v15 =	vmul.f32 $8.000000000e+00, v15;
	[tilespmem:v16+s20+$0x0] =	vst.idx.msk $0xffff, v14  }
0x54: {  	v13 =	vmul.f32 $8.000000000e+00, v30;
	v25 =	vor.u32 v10, v9;
	v12 =	vld [tilespmem:s17+$0xFFFFFFB0];
	v11 =	vmul.f32 $8.000000000e+00, v11  }
0x55: {  	s12 =	simm.s32 $0x9880;
	v10 =	vor.u32 v19, v9;
	v14 =	vadd.f32 v15, v7;
	v15 =	vld [tilespmem:s17+$0xFFFFFFF0];
	v16 =	vmul.f32 $8.000000000e+00, v23  }
0x56: {  	v9 =	vor.u32 v22, v9;
	v30 =	vld [tilespmem:s12+$0xFFFFFFC0];
	v23 =	vadd.f32 v11, v4;
	v11 =	vmul.f32 $8.000000000e+00, v29  }
0x57: {  	v19 =	vld [tilespmem:s12+$0x40];
	v13 =	vadd.f32 v13, v7;
	[tilespmem:v47+s20+$0x0] =	vst.idx.msk $0xffff, v14;
	v27 =	vadd.f32 v16, v7;
	v16 =	vadd.s32 $0x4, v26  }
0x58: {  	[tilespmem:v28+s20+$0x0] =	vst.idx.msk $0xffff, v24;
	v22 =	vadd.f32 v11, v7;
	v29 =	vld [tilespmem:s13+$0x60];
	v14 =	vand.u32 $0xFFFFFFF8, v16;
	v11 =	vand.u32 $0x4, v16  }
0x59: {  	v37 =	vld [tilespmem:s12+$0x0];
	[tilespmem:v48+s20+$0x0] =	vst.idx.msk $0xffff, v13;
	v26 =	vmul.f32 $8.000000000e+00, v12;
	v36 =	vadd.s32 v0, v14;
	v12 =	vor.u32 $0x1, v11  }
0x5a: {  	[tilespmem:v35+s20+$0x0] =	vst.idx.msk $0xffff, v27;
	v27 =	vld [tilespmem:s17+$0x30];
	v49 =	vmul.f32 $8.000000000e+00, v15;
	v15 =	vor.u32 $0x3, v11;
	v28 =	vor.u32 v12, v36  }
0x5b: {  	v38 =	vadd.s32 v2, v20;
	v30 =	vmul.f32 $8.000000000e+00, v30;
	[tilespmem:v31+s20+$0x0] =	vst.idx.msk $0xffff, v22;
	v22 =	vld [tilespmem:s12+$0xFFFFFF80];
	v31 =	vor.u32 v15, v36  }
0x5c: {  	v52 =	vor.u32 v17, v38;
	v39 =	vor.u32 v21, v38;
	v19 =	vmul.f32 $8.000000000e+00, v19;
	v40 =	vld [tilespmem:s13+$0xFFFFFFE0]  }
0x5d: {  	v13 =	vor.u32 $0x2, v11;
	v30 =	vadd.f32 v30, v6;
	v50 =	vld [tilespmem:s13+$0xFFFFFFA0];
	v29 =	vmul.f32 $8.000000000e+00, v29  }
0x5e: {  	[tilespmem:v34+s20+$0x0] =	vst.idx.msk $0xffff, v23;
	v19 =	vadd.f32 v19, v6;
	v51 =	vor.u32 v13, v36;
	v23 =	vld [tilespmem:s13+$0x20]  }
0x5f: {  	v53 =	vmul.f32 $8.000000000e+00, v37;
	v24 =	vor.u32 v11, v36;
	v29 =	vadd.f32 v29, v5;
	[tilespmem:v28+s20+$0x0] =	vst.idx.msk $0xffff, v30  }
0x60: {  	v54 =	vor.u32 v18, v38;
	v56 =	vmul.f32 $8.000000000e+00, v27;
	v22 =	vmul.f32 $8.000000000e+00, v22;
	[tilespmem:v31+s20+$0x0] =	vst.idx.msk $0xffff, v19  }
0x61: {  	v27 =	vadd.s32 v1, v14;
	v28 =	vmul.f32 $8.000000000e+00, v40;
	v19 =	vadd.f32 v53, v6;
	v55 =	vld [tilespmem:s12+$0x50];
	[tilespmem:v39+s20+$0x0] =	vst.idx.msk $0xffff, v29  }
0x62: {  	v30 =	vadd.f32 v26, v4;
	v33 =	vmul.f32 $8.000000000e+00, v50;
	v22 =	vadd.f32 v22, v6;
	v29 =	vld [tilespmem:s13+$0x70]  }
0x63: {  	v58 =	vmul.f32 $8.000000000e+00, v23;
	v23 =	vor.u32 v11, v27;
	v41 =	vor.u32 v15, v27;
	v57 =	vld [tilespmem:s12+$0xFFFFFFD0];
	[tilespmem:v51+s20+$0x0] =	vst.idx.msk $0xffff, v19  }
0x64: {  	v31 =	vor.u32 v8, v38;
	v26 =	vadd.f32 v33, v5;
	[tilespmem:v24+s20+$0x0] =	vst.idx.msk $0xffff, v22;
	v59 =	vld [tilespmem:s12+$0x10]  }
0x65: {  	v60 =	vadd.f32 v28, v5;
	v28 =	vor.u32 v12, v27;
	v22 =	vadd.s32 v3, v20;
	v61 =	vld [tilespmem:s12+$0xFFFFFF90]  }
0x66: {  	v27 =	vor.u32 v13, v27;
	[tilespmem:v52+s20+$0x0] =	vst.idx.msk $0xffff, v26;
	v24 =	vor.u32 v21, v22;
	v20 =	vmul.f32 $8.000000000e+00, v55  }
0x67: {  	v19 =	vadd.f32 v49, v4;
	[tilespmem:v54+s20+$0x0] =	vst.idx.msk $0xffff, v60;
	v21 =	vadd.f32 v58, v5;
	v26 =	vld [tilespmem:s13+$0xFFFFFFB0];
	v29 =	vmul.f32 $8.000000000e+00, v29  }
0x68: {  	[tilespmem:v25+s20+$0x0] =	vst.idx.msk $0xffff, v30;
	v25 =	vld [tilespmem:s13+$0xFFFFFFF0];
	v17 =	vor.u32 v17, v22;
	v62 =	vmul.f32 $8.000000000e+00, v57;
	v63 =	vadd.f32 v20, v7  }
0x69: {  	[tilespmem:v31+s20+$0x0] =	vst.idx.msk $0xffff, v21;
	v21 =	vor.u32 v18, v22;
	v30 =	vmul.f32 $8.000000000e+00, v59;
	v29 =	vadd.f32 v29, v4  }
0x6a: {  	s14 =	simm.s32 $0x8;
	s15 =	simm.s32 $0x9980;
	s10 =	sshll.u32 s1, $0x2;
	v31 =	vadd.f32 v62, v7;
	v18 =	vld [tilespmem:s13+$0x30];
	v20 =	vadd.f32 v56, v4;
	v32 =	vmul.f32 $8.000000000e+00, v61;
	[tilespmem:v41+s20+$0x0] =	vst.idx.msk $0xffff, v63  }
.LBB2_3:
0x6b: {  	v33 =	vld [tilespmem:s15+$0x40];
	v30 =	vadd.f32 v30, v7;
	v22 =	vor.u32 v8, v22;
	[tilespmem:v24+s20+$0x0] =	vst.idx.msk $0xffff, v29;
	v29 =	vmov v11  }
0x6c: {  	s14 =	sadd.s32 $0x4, s14;
	v16 =	vadd.s32 $0x4, v16;
	v34 =	vmovc v12;
	v24 =	vadd.f32 v32, v7;
	[tilespmem:v28+s20+$0x0] =	vst.idx.msk $0xffff, v31;
	v28 =	vld [tilespmem:s12+$0x60];
	v26 =	vmul.f32 $8.000000000e+00, v26  }
0x6d: {  	v8 =	vmovc v13;
	v31 =	vand.u32 $0xFFFFFFF8, v16;
	v11 =	vand.u32 $0x4, v16;
	p1 =	slt.u32 s14, $0x7C;
	v32 =	vld [tilespmem:s15+$0xFFFFFFC0];
	[tilespmem:v27+s20+$0x0] =	vst.idx.msk $0xffff, v30;
	v25 =	vmul.f32 $8.000000000e+00, v25;
	v27 =	vmovc v15  }
0x6e: {  	v30 =	vadd.s32 v0, v31;
	v12 =	vor.u32 $0x1, v11;
	v15 =	vor.u32 $0x3, v11;
	v35 =	vld [tilespmem:s15+$0x0];
	[tilespmem:v23+s20+$0x0] =	vst.idx.msk $0xffff, v24  }
0x6f: {  	v36 =	vadd.s32 v2, v14;
	v13 =	vor.u32 $0x2, v11;
	v24 =	vor.u32 v15, v30;
	v23 =	vld [tilespmem:s15+$0xFFFFFF80];
	[tilespmem:v10+s20+$0x0] =	vst.idx.msk $0xffff, v19  }
0x70: {  	v37 =	vor.u32 v11, v30;
	v38 =	vor.u32 v27, v36;
	v19 =	vmul.f32 $8.000000000e+00, v33;
	v33 =	vld [tilespmem:s12+$0xFFFFFFA0];
	[tilespmem:v9+s20+$0x0] =	vst.idx.msk $0xffff, v20  }
0x71: {  	v10 =	vmovc v21;
	v20 =	vor.u32 v12, v30;
	v30 =	vor.u32 v13, v30;
	v9 =	vmovc v22;
	v39 =	vld [tilespmem:s12+$0xFFFFFFE0];
	v28 =	vmul.f32 $8.000000000e+00, v28  }
0x72: {  	v21 =	vmul.f32 $8.000000000e+00, v32;
	v19 =	vadd.f32 v19, v6;
	v32 =	vor.u32 v29, v36;
	v22 =	vld [tilespmem:s12+$0x20]  }
0x73: {  	v40 =	vor.u32 v34, v36;
	v35 =	vmul.f32 $8.000000000e+00, v35;
	v28 =	vadd.f32 v28, v5  }
0x74: {  	v36 =	vor.u32 v8, v36;
	v23 =	vmul.f32 $8.000000000e+00, v23;
	v21 =	vadd.f32 v21, v6;
	[tilespmem:v24+s20+$0x0] =	vst.idx.msk $0xffff, v19  }
0x75: {  	v18 =	vmul.f32 $8.000000000e+00, v18;
	v19 =	vadd.f32 v35, v6;
	v24 =	vld [tilespmem:s15+$0x50];
	v33 =	vmul.f32 $8.000000000e+00, v33;
	[tilespmem:v38+s20+$0x0] =	vst.idx.msk $0xffff, v28  }
0x76: {  	v35 =	vadd.f32 v26, v4;
	v23 =	vadd.f32 v23, v6;
	[tilespmem:v20+s20+$0x0] =	vst.idx.msk $0xffff, v21;
	v20 =	vmul.f32 $8.000000000e+00, v39;
	v21 =	vld [tilespmem:s12+$0x70]  }
0x77: {  	v38 =	vld [tilespmem:s15+$0xFFFFFFD0];
	[tilespmem:v30+s20+$0x0] =	vst.idx.msk $0xffff, v19;
	v26 =	vadd.f32 v33, v5;
	v30 =	vmul.f32 $8.000000000e+00, v22;
	v19 =	vadd.f32 v25, v4  }
0x78: {  	v25 =	vadd.s32 v1, v31;
	[tilespmem:v37+s20+$0x0] =	vst.idx.msk $0xffff, v23;
	v33 =	vld [tilespmem:s15+$0x10];
	v20 =	vadd.f32 v20, v5  }
0x79: {  	v22 =	vadd.s32 v3, v14;
	v14 =	vmovc v31;
	v23 =	vor.u32 v11, v25;
	v39 =	vor.u32 v15, v25;
	v37 =	vld [tilespmem:s15+$0xFFFFFF90]  }
.Ltmp2:
0x7a: {  	v28 =	vor.u32 v12, v25;
	v31 =	vmul.f32 $8.000000000e+00, v24;
	[tilespmem:v32+s20+$0x0] =	vst.idx.msk $0xffff, v26;
	v24 =	vor.u32 v27, v22;
	(pc) =	sbr.rel @p1 .LBB2_3-.Ltmp2, $4  }
0x7b: {  	v27 =	vor.u32 v13, v25;
	v32 =	vadd.f32 v30, v5;
	v26 =	vld [tilespmem:s12+$0xFFFFFFB0];
	[tilespmem:v40+s20+$0x0] =	vst.idx.msk $0xffff, v20;
	v21 =	vmul.f32 $8.000000000e+00, v21  }
0x7c: {  	v20 =	vadd.f32 v18, v4;
	v38 =	vmul.f32 $8.000000000e+00, v38;
	v40 =	vadd.f32 v31, v7;
	v25 =	vld [tilespmem:s12+$0xFFFFFFF0];
	[tilespmem:v17+s20+$0x0] =	vst.idx.msk $0xffff, v35  }
0x7d: {  	v17 =	vor.u32 v29, v22;
	v30 =	vmul.f32 $8.000000000e+00, v33;
	[tilespmem:v36+s20+$0x0] =	vst.idx.msk $0xffff, v32;
	v29 =	vadd.f32 v21, v4  }
0x7e: {  	v21 =	vor.u32 v34, v22;
	v32 =	vmul.f32 $8.000000000e+00, v37;
	v31 =	vadd.f32 v38, v7;
	[tilespmem:v39+s20+$0x0] =	vst.idx.msk $0xffff, v40;
	v18 =	vld [tilespmem:s12+$0x30];
	s12 =	smov.u32 s15;
	s15 =	sadd.s32 $0x100, s15  }
0x7f: {  	_ =	sdelay $0x1  }
0x80: {  	v16 =	vld [tilespmem:s12+$0x60];
	v6 =	vadd.f32 v32, v7;
	_ =	sdelay $0x1  }
0x81: {  	v43 =	vadd.f32 v30, v7;
	[tilespmem:v23+s20+$0x0] =	vst.idx.msk $0xffff, v6  }
0x82: {  	v44 =	vadd.s32 v2, v14;
	[tilespmem:v28+s20+$0x0] =	vst.idx.msk $0xffff, v31;
	v23 =	vld [tilespmem:s12+$0xFFFFFFA0]  }
0x83: {  	v45 =	vor.u32 v15, v44;
	[tilespmem:v27+s20+$0x0] =	vst.idx.msk $0xffff, v43;
	v46 =	vld [tilespmem:s12+$0xFFFFFFE0]  }
0x84: {  	v47 =	vld [tilespmem:s12+$0x20];
	v16 =	vmul.f32 $8.000000000e+00, v16;
	_ =	sdelay $0x1  }
0x85: {  	v48 =	vor.u32 v11, v44;
	v16 =	vadd.f32 v16, v5  }
0x86: {  	v49 =	vor.u32 v12, v44;
	v23 =	vmul.f32 $8.000000000e+00, v23  }
0x87: {  	v6 =	vor.u32 v13, v44;
	v50 =	vmul.f32 $8.000000000e+00, v46;
	[tilespmem:v45+s20+$0x0] =	vst.idx.msk $0xffff, v16  }
0x88: {  	v51 =	vmul.f32 $8.000000000e+00, v47;
	v16 =	vld [tilespmem:s12+$0x70];
	v23 =	vadd.f32 v23, v5  }
0x89: {  	v7 =	vadd.f32 v50, v5  }
0x8a: {  	v5 =	vadd.f32 v51, v5;
	[tilespmem:v48+s20+$0x0] =	vst.idx.msk $0xffff, v23  }
0x8b: {  	v52 =	vadd.s32 v3, v14;
	[tilespmem:v49+s20+$0x0] =	vst.idx.msk $0xffff, v7;
	v23 =	vld [tilespmem:s12+$0xFFFFFFB0]  }
0x8c: {  	v54 =	vor.u32 v15, v52;
	v56 =	vmul.f32 $8.000000000e+00, v25;
	v55 =	vld [tilespmem:s12+$0xFFFFFFF0];
	[tilespmem:v6+s20+$0x0] =	vst.idx.msk $0xffff, v5  }
0x8d: {  	[tilespmem:v24+s20+$0x0] =	vst.idx.msk $0xffff, v29;
	v8 =	vor.u32 v8, v22;
	v6 =	vld [tilespmem:s12+$0x30];
	v5 =	vmul.f32 $8.000000000e+00, v16  }
0x8e: {  	[tilespmem:v10+s20+$0x0] =	vst.idx.msk $0xffff, v19;
	v57 =	vmul.f32 $8.000000000e+00, v18;
	v59 =	vadd.f32 v56, v4  }
0x8f: {  	[tilespmem:v9+s20+$0x0] =	vst.idx.msk $0xffff, v20;
	v53 =	vmul.f32 $8.000000000e+00, v26;
	v58 =	vor.u32 v11, v52;
	v5 =	vadd.f32 v5, v4  }
0x90: {  	v60 =	vor.u32 v12, v52;
	v9 =	vadd.f32 v57, v4;
	[tilespmem:v21+s20+$0x0] =	vst.idx.msk $0xffff, v59;
	v61 =	vmul.f32 $8.000000000e+00, v23  }
0x91: {  	v62 =	vor.u32 v13, v52;
	v7 =	vadd.f32 v53, v4;
	[tilespmem:v54+s20+$0x0] =	vst.idx.msk $0xffff, v5;
	v5 =	vmul.f32 $8.000000000e+00, v55  }
0x92: {  	[tilespmem:v8+s20+$0x0] =	vst.idx.msk $0xffff, v9;
	v6 =	vmul.f32 $8.000000000e+00, v6;
	v63 =	vadd.f32 v61, v4  }
0x93: {  	s17 =	sshll.u32 s1, $0x14;
	[tilespmem:v17+s20+$0x0] =	vst.idx.msk $0xffff, v7;
	v5 =	vadd.f32 v5, v4  }
0x94: {  	s12 =	sor.u32 s7, s17;
	v4 =	vadd.f32 v6, v4;
	[tilespmem:v58+s20+$0x0] =	vst.idx.msk $0xffff, v63  }
0x95: {  	s12 =	sshrl.u32 s12, $0x3;
	[tilespmem:v60+s20+$0x0] =	vst.idx.msk $0xffff, v5  }
0x96: {  	s5 =	simm.s32 $0x11600;
	s13 =	sadd.s32 s2, s12;
	[tilespmem:v62+s20+$0x0] =	vst.idx.msk $0xffff, v4  }
0x97: {  	[hbm4b:s13+s3] =	stream.linear.scatter [tilespmem:s5], [sflag:$0x5], $0x80, $0x38;
	[tilespmem:$0x19E00] =	vst v63  }
0x98: {  	s6 =	simm.s32 $0x11688;
	s14 =	sadd.s32 $0x10, s13  }
0x99: {  	[hbm4b:s14+s3] =	stream.linear.scatter [tilespmem:s6], [sflag:$0x5], $0x80, $0x38;
	[tilespmem:$0x19E00] =	vst v63  }
0x9a: {  	s15 =	sadd.s32 $0x20, s13;
	s14 =	simm.s32 $0x11710  }
0x9b: {  	[hbm4b:s15+s3] =	stream.linear.scatter [tilespmem:s14], [sflag:$0x5], $0x80, $0x38;
	[tilespmem:$0x19E00] =	vst v63  }
0x9c: {  	s16 =	simm.s32 $0x11798;
	s17 =	sadd.s32 $0x30, s13  }
0x9d: {  	[hbm4b:s17+s3] =	stream.linear.scatter [tilespmem:s16], [sflag:$0x5], $0x80, $0x38;
	[tilespmem:$0x19E00] =	vst v63  }
0x9e: {  	s5 =	simm.s32 $0x11820;
	s6 =	sadd.s32 $0x40, s13  }
0x9f: {  	[hbm4b:s6+s3] =	stream.linear.scatter [tilespmem:s5], [sflag:$0x5], $0x80, $0x38;
	[tilespmem:$0x19E00] =	vst v63  }
0xa0: {  	s12 =	simm.s32 $0x440;
	s14 =	simm.s32 $0x118A8;
	s15 =	sadd.s32 $0x50, s13  }
0xa1: {  	[hbm4b:s15+s3] =	stream.linear.scatter [tilespmem:s14], [sflag:$0x5], $0x80, $0x38;
	[tilespmem:$0x19E00] =	vst v63  }
0xa2: {  	s16 =	simm.s32 $0x11930;
	s17 =	sadd.s32 $0x60, s13;
	s14 =	simm.s32 $0x2200  }
0xa3: {  	[hbm4b:s17+s3] =	stream.linear.scatter [tilespmem:s16], [sflag:$0x5], $0x80, $0x38;
	[tilespmem:$0x19E00] =	vst v63  }
0xa4: {  	s15 =	simm.s32 $0x119B8;
	s16 =	sadd.s32 $0x70, s13;
	s13 =	sadd.s32 $0x1000, s13  }
.LBB2_5:
0xa5: {  	[hbm4b:s16+s3] =	stream.linear.scatter [tilespmem:s15], [sflag:$0x5], $0x80, $0x38;
	[tilespmem:$0x19E00] =	vst v63  }
0xa6: {  	s15 =	smov.u32 s12;
	s12 =	smov.u32 s14  }
0xa7: {  	s17 =	sadd.s32 $0x1100, s14;
	s12 =	sshra.s32 s12, $0x2;
	s16 =	sadd.s32 $0x11600, s15  }
0xa8: {  	[hbm4b:s13+s3] =	stream.linear.scatter [tilespmem:s16], [sflag:$0x5], $0x80, $0x38;
	[tilespmem:$0x19E00] =	vst v63  }
0xa9: {  	p1 =	sne.s32 s14, $0x7700;
	s14 =	sadd.s32 $0x11688, s15;
	s16 =	sadd.s32 $0x10, s13  }
0xaa: {  	[hbm4b:s16+s3] =	stream.linear.scatter [tilespmem:s14], [sflag:$0x5], $0x80, $0x38;
	[tilespmem:$0x19E00] =	vst v63  }
0xab: {  	s14 =	sadd.s32 $0x11710, s15;
	s16 =	sadd.s32 $0x20, s13  }
0xac: {  	[hbm4b:s16+s3] =	stream.linear.scatter [tilespmem:s14], [sflag:$0x5], $0x80, $0x38;
	[tilespmem:$0x19E00] =	vst v63  }
0xad: {  	s14 =	sadd.s32 $0x11798, s15;
	s16 =	sadd.s32 $0x30, s13  }
0xae: {  	[hbm4b:s16+s3] =	stream.linear.scatter [tilespmem:s14], [sflag:$0x5], $0x80, $0x38;
	[tilespmem:$0x19E00] =	vst v63  }
0xaf: {  	s14 =	sadd.s32 $0x11820, s15;
	s16 =	sadd.s32 $0x40, s13  }
0xb0: {  	[hbm4b:s16+s3] =	stream.linear.scatter [tilespmem:s14], [sflag:$0x5], $0x80, $0x38;
	[tilespmem:$0x19E00] =	vst v63  }
.Ltmp3:
0xb1: {  	s14 =	sadd.s32 $0x118A8, s15;
	s16 =	sadd.s32 $0x50, s13;
	(pc) =	sbr.rel @p1 .LBB2_5-.Ltmp3, $4  }
0xb2: {  	[hbm4b:s16+s3] =	stream.linear.scatter [tilespmem:s14], [sflag:$0x5], $0x80, $0x38;
	[tilespmem:$0x19E00] =	vst v63  }
0xb3: {  	s14 =	sadd.s32 $0x11930, s15;
	s16 =	sadd.s32 $0x60, s13;
	s15 =	sadd.s32 $0x119B8, s15  }
0xb4: {  	[hbm4b:s16+s3] =	stream.linear.scatter [tilespmem:s14], [sflag:$0x5], $0x80, $0x38;
	[tilespmem:$0x19E00] =	vst v63  }
0xb5: {  	s16 =	sadd.s32 $0x70, s13;
	s13 =	sadd.s32 $0x1000, s13;
	s14 =	smov.u32 s17  }
0xb6: {  	[hbm4b:s16+s3] =	stream.linear.scatter [tilespmem:s15], [sflag:$0x5], $0x80, $0x38;
	[tilespmem:$0x19E00] =	vst v63  }
0xb7: {  	s14 =	sadd.s32 $0x11600, s12  }
0xb8: {  	[hbm4b:s13+s3] =	stream.linear.scatter [tilespmem:s14], [sflag:$0x5], $0x80, $0x38;
	[tilespmem:$0x19E00] =	vst v63  }
0xb9: {  	s16 =	sadd.s32 $0x11688, s12;
	s17 =	sadd.s32 $0x10, s13  }
0xba: {  	[hbm4b:s17+s3] =	stream.linear.scatter [tilespmem:s16], [sflag:$0x5], $0x80, $0x38;
	[tilespmem:$0x19E00] =	vst v63  }
0xbb: {  	s5 =	sadd.s32 $0x11710, s12;
	s6 =	sadd.s32 $0x20, s13  }
0xbc: {  	[hbm4b:s6+s3] =	stream.linear.scatter [tilespmem:s5], [sflag:$0x5], $0x80, $0x38;
	[tilespmem:$0x19E00] =	vst v63  }
0xbd: {  	s16 =	sadd.s32 $0x11798, s12;
	s17 =	sadd.s32 $0x30, s13  }
0xbe: {  	[hbm4b:s17+s3] =	stream.linear.scatter [tilespmem:s16], [sflag:$0x5], $0x80, $0x38;
	[tilespmem:$0x19E00] =	vst v63  }
0xbf: {  	s15 =	sadd.s32 $0x119B8, s12;
	s5 =	sadd.s32 $0x11820, s12;
	s6 =	sadd.s32 $0x40, s13  }
0xc0: {  	[hbm4b:s6+s3] =	stream.linear.scatter [tilespmem:s5], [sflag:$0x5], $0x80, $0x38;
	[tilespmem:$0x19E00] =	vst v63  }
0xc1: {  	p1 =	seq.s32 s1, $0x31;
	s16 =	sadd.s32 $0x118A8, s12;
	s17 =	sadd.s32 $0x50, s13  }
0xc2: {  	[hbm4b:s17+s3] =	stream.linear.scatter [tilespmem:s16], [sflag:$0x5], $0x80, $0x38;
	[tilespmem:$0x19E00] =	vst v63  }
0xc3: {  	s5 =	sadd.s32 $0x11930, s12;
	s6 =	sadd.s32 $0x60, s13;
	s12 =	sshll.u32 @!p1 s1, $0x9  }
0xc4: {  	[hbm4b:s6+s3] =	stream.linear.scatter [tilespmem:s5], [sflag:$0x5], $0x80, $0x38;
	[tilespmem:$0x19E00] =	vst v63  }
0xc5: {  	s12 =	sand.u32 @!p1 $0x3FFFFE00, s12;
	s16 =	sadd.s32 $0x70, s13  }
0xc6: {  	[hbm4b:s16+s3] =	stream.linear.scatter [tilespmem:s15], [sflag:$0x5], $0x80, $0x38;
	[tilespmem:$0x19E00] =	vst v63  }
0xc7: {  	s14 =	simm.s32 @!p1 $0x80;
	s13 =	sadd.s32 @!p1 $0x200, s12;
	s15 =	simm.s32 @!p1 $0x9600  }
0xc8: {  	[tilespmem:s15], [sflag:$0x1] =	stream.indirect.gather @!p1 [hbm4b:s4+s14], $0x40, s13, s14, $0xb8;
	[tilespmem:$0x19E00] =	vst v63  }
0xc9: {  	_ =	swait.ge [sflag:s21], $0x2000  }
0xca: {  	[sflag:s21] =	ssyncset.done $0x0  }
0xcb: {  	s14 =	simm.s32 @!p0 $0x6;
	[sflag:s21] =	ssyncadd.s32 $0xFFFFE000  }
0xcc: {  	_ =	swait.ge @!p0 [sflag:s14], $0x2000  }
0xcd: {  	s13 =	sor.u32 $0x1, s10;
	[sflag:s14] =	ssyncset.done @!p0 $0x0  }
0xce: {  	s17 =	simm.s32 $0xB680;
	s5 =	sshll.u32 s13, $0x6;
	[sflag:s14] =	ssyncadd.s32 @!p0 $0xFFFFE000  }
0xcf: {  	s14 =	sand.u32 $0x3FFFFFC0, s5;
	v4 =	vld [tilespmem:s17+$0x40]  }
0xd0: {  	v8 =	vimm.s32 $0x0;
	v6 =	vld [tilespmem:s14+$0x6400]  }
0xd1: {  	v9 =	vand.u32 $0xFFFFFFF8, v8;
	v10 =	vand.u32 $0x4, v8;
	v11 =	vld [tilespmem:s17+$0xFFFFFFC0]  }
0xd2: {  	v12 =	vadd.s32 v0, v9;
	v13 =	vor.u32 $0x3, v10;
	v14 =	vld [tilespmem:s17+$0x0]  }
0xd3: {  	v15 =	vor.u32 v13, v12;
	v16 =	vld [tilespmem:s17+$0xFFFFFF80]  }
0xd4: {  	v19 =	vor.u32 $0x1, v10;
	v4 =	vmul.f32 $8.000000000e+00, v4  }
0xd5: {  	v22 =	vor.u32 $0x2, v10;
	v17 =	vor.u32 v19, v12  }
0xd6: {  	v20 =	vor.u32 v22, v12;
	v7 =	vld [tilespmem:s14+$0x6410];
	v11 =	vmul.f32 $8.000000000e+00, v11;
	v18 =	vadd.f32 v4, v6  }
0xd7: {  	v12 =	vor.u32 v10, v12;
	v5 =	vld [tilespmem:s14+$0x6420];
	v14 =	vmul.f32 $8.000000000e+00, v14  }
0xd8: {  	v4 =	vld [tilespmem:s14+$0x6430];
	v11 =	vadd.f32 v11, v6;
	[tilespmem:v15+s22+$0x0] =	vst.idx.msk $0xffff, v18;
	v15 =	vmul.f32 $8.000000000e+00, v16  }
0xd9: {  	v14 =	vadd.f32 v14, v6;
	v16 =	vld [tilespmem:s17+$0x50]  }
0xda: {  	[tilespmem:v17+s22+$0x0] =	vst.idx.msk $0xffff, v11;
	v15 =	vadd.f32 v15, v6  }
0xdb: {  	[tilespmem:v20+s22+$0x0] =	vst.idx.msk $0xffff, v14;
	v11 =	vld [tilespmem:s17+$0xFFFFFFD0]  }
0xdc: {  	v14 =	vadd.s32 v1, v9;
	[tilespmem:v12+s22+$0x0] =	vst.idx.msk $0xffff, v15  }
0xdd: {  	v15 =	vor.u32 v13, v14;
	v17 =	vld [tilespmem:s17+$0xFFFFFF90]  }
0xde: {  	v16 =	vmul.f32 $8.000000000e+00, v16;
	_ =	sdelay $0x1  }
0xdf: {  	v24 =	vor.u32 v19, v14;
	v12 =	vld [tilespmem:s17+$0x10];
	v11 =	vmul.f32 $8.000000000e+00, v11;
	v16 =	vadd.f32 v16, v7  }
0xe0: {  	s6 =	simm.s32 $0xB780;
	v23 =	vor.u32 v10, v14  }
0xe1: {  	v26 =	vadd.s32 $0x4, v8;
	v8 =	vadd.f32 v11, v7;
	v11 =	vld [tilespmem:s6+$0xFFFFFFC0];
	[tilespmem:v15+s22+$0x0] =	vst.idx.msk $0xffff, v16;
	v16 =	vmul.f32 $8.000000000e+00, v17  }
0xe2: {  	v20 =	vand.u32 $0xFFFFFFF8, v26;
	v15 =	vld [tilespmem:s6+$0x40]  }
0xe3: {  	v14 =	vor.u32 v22, v14;
	v17 =	vand.u32 $0x4, v26;
	v25 =	vld [tilespmem:s17+$0x60];
	v16 =	vadd.f32 v16, v7  }
0xe4: {  	v28 =	vld [tilespmem:s6+$0x0];
	v27 =	vadd.s32 v0, v20;
	v12 =	vmul.f32 $8.000000000e+00, v12;
	[tilespmem:v24+s22+$0x0] =	vst.idx.msk $0xffff, v8;
	v18 =	vor.u32 $0x1, v17  }
0xe5: {  	v31 =	vadd.s32 v2, v9;
	v29 =	vld [tilespmem:s6+$0xFFFFFF80];
	v21 =	vor.u32 $0x3, v17;
	v24 =	vor.u32 v18, v27;
	[tilespmem:v23+s22+$0x0] =	vst.idx.msk $0xffff, v16  }
0xe6: {  	v12 =	vadd.f32 v12, v7;
	v30 =	vor.u32 v21, v27;
	v11 =	vmul.f32 $8.000000000e+00, v11;
	v23 =	vld [tilespmem:s17+$0xFFFFFFA0]  }
0xe7: {  	v8 =	vor.u32 $0x2, v17;
	v33 =	vld [tilespmem:s17+$0xFFFFFFE0];
	v16 =	vor.u32 v13, v31;
	v15 =	vmul.f32 $8.000000000e+00, v15  }
0xe8: {  	v32 =	vor.u32 v8, v27;
	[tilespmem:v14+s22+$0x0] =	vst.idx.msk $0xffff, v12;
	v11 =	vadd.f32 v11, v6;
	v25 =	vmul.f32 $8.000000000e+00, v25  }
0xe9: {  	v12 =	vor.u32 v17, v27;
	v14 =	vmul.f32 $8.000000000e+00, v28;
	v27 =	vld [tilespmem:s17+$0x20];
	v15 =	vadd.f32 v15, v6  }
0xea: {  	v28 =	vmul.f32 $8.000000000e+00, v29;
	[tilespmem:v24+s22+$0x0] =	vst.idx.msk $0xffff, v11;
	v25 =	vadd.f32 v25, v5  }
0xeb: {  	v14 =	vadd.f32 v14, v6;
	v24 =	vor.u32 v19, v31;
	[tilespmem:v30+s22+$0x0] =	vst.idx.msk $0xffff, v15;
	v30 =	vld [tilespmem:s6+$0xFFFFFFD0];
	v23 =	vmul.f32 $8.000000000e+00, v23  }
0xec: {  	v29 =	vmul.f32 $8.000000000e+00, v33;
	v15 =	vld [tilespmem:s6+$0x50];
	[tilespmem:v16+s22+$0x0] =	vst.idx.msk $0xffff, v25;
	v16 =	vor.u32 v10, v31;
	v25 =	vadd.f32 v28, v6  }
0xed: {  	v9 =	vadd.s32 v3, v9;
	[tilespmem:v32+s22+$0x0] =	vst.idx.msk $0xffff, v14;
	v11 =	vld [tilespmem:s17+$0x70];
	v14 =	vadd.f32 v23, v5  }
0xee: {  	[tilespmem:v12+s22+$0x0] =	vst.idx.msk $0xffff, v25;
	v12 =	vadd.s32 v1, v20;
	v23 =	vld [tilespmem:s6+$0x10];
	v25 =	vmul.f32 $8.000000000e+00, v27;
	v27 =	vadd.f32 v29, v5  }
0xef: {  	v34 =	vor.u32 v13, v9;
	v28 =	vor.u32 v22, v31;
	v29 =	vld [tilespmem:s6+$0xFFFFFF90];
	v31 =	vor.u32 v17, v12  }
0xf0: {  	v47 =	vor.u32 v21, v12;
	v48 =	vor.u32 v18, v12;
	[tilespmem:v24+s22+$0x0] =	vst.idx.msk $0xffff, v27  }
0xf1: {  	v35 =	vor.u32 v8, v12;
	v24 =	vadd.f32 v25, v5;
	v15 =	vmul.f32 $8.000000000e+00, v15;
	[tilespmem:v16+s22+$0x0] =	vst.idx.msk $0xffff, v14  }
0xf2: {  	v13 =	vmul.f32 $8.000000000e+00, v30;
	v25 =	vor.u32 v10, v9;
	v12 =	vld [tilespmem:s17+$0xFFFFFFB0];
	v11 =	vmul.f32 $8.000000000e+00, v11  }
0xf3: {  	s14 =	simm.s32 $0xB880;
	v10 =	vor.u32 v19, v9;
	v14 =	vadd.f32 v15, v7;
	v15 =	vld [tilespmem:s17+$0xFFFFFFF0];
	v16 =	vmul.f32 $8.000000000e+00, v23  }
0xf4: {  	v9 =	vor.u32 v22, v9;
	v30 =	vld [tilespmem:s14+$0xFFFFFFC0];
	v23 =	vadd.f32 v11, v4;
	v11 =	vmul.f32 $8.000000000e+00, v29  }
0xf5: {  	v19 =	vld [tilespmem:s14+$0x40];
	v13 =	vadd.f32 v13, v7;
	[tilespmem:v47+s22+$0x0] =	vst.idx.msk $0xffff, v14;
	v27 =	vadd.f32 v16, v7;
	v16 =	vadd.s32 $0x4, v26  }
0xf6: {  	[tilespmem:v28+s22+$0x0] =	vst.idx.msk $0xffff, v24;
	v22 =	vadd.f32 v11, v7;
	v29 =	vld [tilespmem:s6+$0x60];
	v14 =	vand.u32 $0xFFFFFFF8, v16;
	v11 =	vand.u32 $0x4, v16  }
0xf7: {  	v37 =	vld [tilespmem:s14+$0x0];
	[tilespmem:v48+s22+$0x0] =	vst.idx.msk $0xffff, v13;
	v26 =	vmul.f32 $8.000000000e+00, v12;
	v36 =	vadd.s32 v0, v14;
	v12 =	vor.u32 $0x1, v11  }
0xf8: {  	[tilespmem:v35+s22+$0x0] =	vst.idx.msk $0xffff, v27;
	v27 =	vld [tilespmem:s17+$0x30];
	v49 =	vmul.f32 $8.000000000e+00, v15;
	v15 =	vor.u32 $0x3, v11;
	v28 =	vor.u32 v12, v36  }
0xf9: {  	v38 =	vadd.s32 v2, v20;
	v30 =	vmul.f32 $8.000000000e+00, v30;
	[tilespmem:v31+s22+$0x0] =	vst.idx.msk $0xffff, v22;
	v22 =	vld [tilespmem:s14+$0xFFFFFF80];
	v31 =	vor.u32 v15, v36  }
0xfa: {  	v52 =	vor.u32 v17, v38;
	v39 =	vor.u32 v21, v38;
	v19 =	vmul.f32 $8.000000000e+00, v19;
	v40 =	vld [tilespmem:s6+$0xFFFFFFE0]  }
0xfb: {  	v13 =	vor.u32 $0x2, v11;
	v30 =	vadd.f32 v30, v6;
	v50 =	vld [tilespmem:s6+$0xFFFFFFA0];
	v29 =	vmul.f32 $8.000000000e+00, v29  }
0xfc: {  	[tilespmem:v34+s22+$0x0] =	vst.idx.msk $0xffff, v23;
	v19 =	vadd.f32 v19, v6;
	v51 =	vor.u32 v13, v36;
	v23 =	vld [tilespmem:s6+$0x20]  }
0xfd: {  	v53 =	vmul.f32 $8.000000000e+00, v37;
	v24 =	vor.u32 v11, v36;
	v29 =	vadd.f32 v29, v5;
	[tilespmem:v28+s22+$0x0] =	vst.idx.msk $0xffff, v30  }
0xfe: {  	v54 =	vor.u32 v18, v38;
	v56 =	vmul.f32 $8.000000000e+00, v27;
	v22 =	vmul.f32 $8.000000000e+00, v22;
	[tilespmem:v31+s22+$0x0] =	vst.idx.msk $0xffff, v19  }
0xff: {  	v27 =	vadd.s32 v1, v14;
	v28 =	vmul.f32 $8.000000000e+00, v40;
	v19 =	vadd.f32 v53, v6;
	v55 =	vld [tilespmem:s14+$0x50];
	[tilespmem:v39+s22+$0x0] =	vst.idx.msk $0xffff, v29  }
0x100: {  	v30 =	vadd.f32 v26, v4;
	v33 =	vmul.f32 $8.000000000e+00, v50;
	v22 =	vadd.f32 v22, v6;
	v29 =	vld [tilespmem:s6+$0x70]  }
0x101: {  	v58 =	vmul.f32 $8.000000000e+00, v23;
	v23 =	vor.u32 v11, v27;
	v41 =	vor.u32 v15, v27;
	v57 =	vld [tilespmem:s14+$0xFFFFFFD0];
	[tilespmem:v51+s22+$0x0] =	vst.idx.msk $0xffff, v19  }
0x102: {  	v31 =	vor.u32 v8, v38;
	v26 =	vadd.f32 v33, v5;
	[tilespmem:v24+s22+$0x0] =	vst.idx.msk $0xffff, v22;
	v59 =	vld [tilespmem:s14+$0x10]  }
0x103: {  	v60 =	vadd.f32 v28, v5;
	v28 =	vor.u32 v12, v27;
	v22 =	vadd.s32 v3, v20;
	v61 =	vld [tilespmem:s14+$0xFFFFFF90]  }
0x104: {  	v27 =	vor.u32 v13, v27;
	[tilespmem:v52+s22+$0x0] =	vst.idx.msk $0xffff, v26;
	v24 =	vor.u32 v21, v22;
	v20 =	vmul.f32 $8.000000000e+00, v55  }
0x105: {  	v19 =	vadd.f32 v49, v4;
	[tilespmem:v54+s22+$0x0] =	vst.idx.msk $0xffff, v60;
	v21 =	vadd.f32 v58, v5;
	v26 =	vld [tilespmem:s6+$0xFFFFFFB0];
	v29 =	vmul.f32 $8.000000000e+00, v29  }
0x106: {  	[tilespmem:v25+s22+$0x0] =	vst.idx.msk $0xffff, v30;
	v25 =	vld [tilespmem:s6+$0xFFFFFFF0];
	v17 =	vor.u32 v17, v22;
	v62 =	vmul.f32 $8.000000000e+00, v57;
	v63 =	vadd.f32 v20, v7  }
0x107: {  	[tilespmem:v31+s22+$0x0] =	vst.idx.msk $0xffff, v21;
	v21 =	vor.u32 v18, v22;
	v30 =	vmul.f32 $8.000000000e+00, v59;
	v29 =	vadd.f32 v29, v4  }
0x108: {  	s16 =	simm.s32 $0x8;
	s17 =	simm.s32 $0xB980;
	v31 =	vadd.f32 v62, v7;
	v18 =	vld [tilespmem:s6+$0x30];
	v20 =	vadd.f32 v56, v4;
	v32 =	vmul.f32 $8.000000000e+00, v61;
	[tilespmem:v41+s22+$0x0] =	vst.idx.msk $0xffff, v63  }
.LBB2_7:
0x109: {  	v33 =	vld [tilespmem:s17+$0x40];
	v30 =	vadd.f32 v30, v7;
	v22 =	vor.u32 v8, v22;
	[tilespmem:v24+s22+$0x0] =	vst.idx.msk $0xffff, v29;
	v29 =	vmov v11  }
0x10a: {  	s16 =	sadd.s32 $0x4, s16;
	v16 =	vadd.s32 $0x4, v16;
	v34 =	vmovc v12;
	v24 =	vadd.f32 v32, v7;
	[tilespmem:v28+s22+$0x0] =	vst.idx.msk $0xffff, v31;
	v28 =	vld [tilespmem:s14+$0x60];
	v26 =	vmul.f32 $8.000000000e+00, v26  }
0x10b: {  	v8 =	vmovc v13;
	v31 =	vand.u32 $0xFFFFFFF8, v16;
	v11 =	vand.u32 $0x4, v16;
	p2 =	slt.u32 s16, $0x7C;
	v32 =	vld [tilespmem:s17+$0xFFFFFFC0];
	[tilespmem:v27+s22+$0x0] =	vst.idx.msk $0xffff, v30;
	v25 =	vmul.f32 $8.000000000e+00, v25;
	v27 =	vmovc v15  }
0x10c: {  	v30 =	vadd.s32 v0, v31;
	v12 =	vor.u32 $0x1, v11;
	v15 =	vor.u32 $0x3, v11;
	v35 =	vld [tilespmem:s17+$0x0];
	[tilespmem:v23+s22+$0x0] =	vst.idx.msk $0xffff, v24  }
0x10d: {  	v36 =	vadd.s32 v2, v14;
	v13 =	vor.u32 $0x2, v11;
	v24 =	vor.u32 v15, v30;
	v23 =	vld [tilespmem:s17+$0xFFFFFF80];
	[tilespmem:v10+s22+$0x0] =	vst.idx.msk $0xffff, v19  }
0x10e: {  	v37 =	vor.u32 v11, v30;
	v38 =	vor.u32 v27, v36;
	v19 =	vmul.f32 $8.000000000e+00, v33;
	v33 =	vld [tilespmem:s14+$0xFFFFFFA0];
	[tilespmem:v9+s22+$0x0] =	vst.idx.msk $0xffff, v20  }
0x10f: {  	v10 =	vmovc v21;
	v20 =	vor.u32 v12, v30;
	v30 =	vor.u32 v13, v30;
	v9 =	vmovc v22;
	v39 =	vld [tilespmem:s14+$0xFFFFFFE0];
	v28 =	vmul.f32 $8.000000000e+00, v28  }
0x110: {  	v21 =	vmul.f32 $8.000000000e+00, v32;
	v19 =	vadd.f32 v19, v6;
	v32 =	vor.u32 v29, v36;
	v22 =	vld [tilespmem:s14+$0x20]  }
0x111: {  	v40 =	vor.u32 v34, v36;
	v35 =	vmul.f32 $8.000000000e+00, v35;
	v28 =	vadd.f32 v28, v5  }
0x112: {  	v36 =	vor.u32 v8, v36;
	v23 =	vmul.f32 $8.000000000e+00, v23;
	v21 =	vadd.f32 v21, v6;
	[tilespmem:v24+s22+$0x0] =	vst.idx.msk $0xffff, v19  }
0x113: {  	v18 =	vmul.f32 $8.000000000e+00, v18;
	v19 =	vadd.f32 v35, v6;
	v24 =	vld [tilespmem:s17+$0x50];
	v33 =	vmul.f32 $8.000000000e+00, v33;
	[tilespmem:v38+s22+$0x0] =	vst.idx.msk $0xffff, v28  }
0x114: {  	v35 =	vadd.f32 v26, v4;
	v23 =	vadd.f32 v23, v6;
	[tilespmem:v20+s22+$0x0] =	vst.idx.msk $0xffff, v21;
	v20 =	vmul.f32 $8.000000000e+00, v39;
	v21 =	vld [tilespmem:s14+$0x70]  }
0x115: {  	v38 =	vld [tilespmem:s17+$0xFFFFFFD0];
	[tilespmem:v30+s22+$0x0] =	vst.idx.msk $0xffff, v19;
	v26 =	vadd.f32 v33, v5;
	v30 =	vmul.f32 $8.000000000e+00, v22;
	v19 =	vadd.f32 v25, v4  }
0x116: {  	v25 =	vadd.s32 v1, v31;
	[tilespmem:v37+s22+$0x0] =	vst.idx.msk $0xffff, v23;
	v33 =	vld [tilespmem:s17+$0x10];
	v20 =	vadd.f32 v20, v5  }
0x117: {  	v22 =	vadd.s32 v3, v14;
	v14 =	vmovc v31;
	v23 =	vor.u32 v11, v25;
	v39 =	vor.u32 v15, v25;
	v37 =	vld [tilespmem:s17+$0xFFFFFF90]  }
.Ltmp4:
0x118: {  	v28 =	vor.u32 v12, v25;
	v31 =	vmul.f32 $8.000000000e+00, v24;
	[tilespmem:v32+s22+$0x0] =	vst.idx.msk $0xffff, v26;
	v24 =	vor.u32 v27, v22;
	(pc) =	sbr.rel @p2 .LBB2_7-.Ltmp4, $4  }
0x119: {  	v27 =	vor.u32 v13, v25;
	v32 =	vadd.f32 v30, v5;
	v26 =	vld [tilespmem:s14+$0xFFFFFFB0];
	[tilespmem:v40+s22+$0x0] =	vst.idx.msk $0xffff, v20;
	v21 =	vmul.f32 $8.000000000e+00, v21  }
0x11a: {  	v20 =	vadd.f32 v18, v4;
	v38 =	vmul.f32 $8.000000000e+00, v38;
	v40 =	vadd.f32 v31, v7;
	v25 =	vld [tilespmem:s14+$0xFFFFFFF0];
	[tilespmem:v17+s22+$0x0] =	vst.idx.msk $0xffff, v35  }
0x11b: {  	v17 =	vor.u32 v29, v22;
	v30 =	vmul.f32 $8.000000000e+00, v33;
	[tilespmem:v36+s22+$0x0] =	vst.idx.msk $0xffff, v32;
	v29 =	vadd.f32 v21, v4  }
0x11c: {  	v21 =	vor.u32 v34, v22;
	v32 =	vmul.f32 $8.000000000e+00, v37;
	v31 =	vadd.f32 v38, v7;
	[tilespmem:v39+s22+$0x0] =	vst.idx.msk $0xffff, v40;
	v18 =	vld [tilespmem:s14+$0x30];
	s14 =	smov.u32 s17;
	s17 =	sadd.s32 $0x100, s17  }
0x11d: {  	_ =	sdelay $0x1  }
0x11e: {  	v16 =	vld [tilespmem:s14+$0x60];
	v6 =	vadd.f32 v32, v7;
	_ =	sdelay $0x1  }
0x11f: {  	v43 =	vadd.f32 v30, v7;
	[tilespmem:v23+s22+$0x0] =	vst.idx.msk $0xffff, v6  }
0x120: {  	v44 =	vadd.s32 v2, v14;
	[tilespmem:v28+s22+$0x0] =	vst.idx.msk $0xffff, v31;
	v23 =	vld [tilespmem:s14+$0xFFFFFFA0]  }
0x121: {  	v45 =	vor.u32 v15, v44;
	[tilespmem:v27+s22+$0x0] =	vst.idx.msk $0xffff, v43;
	v46 =	vld [tilespmem:s14+$0xFFFFFFE0]  }
0x122: {  	v47 =	vld [tilespmem:s14+$0x20];
	v16 =	vmul.f32 $8.000000000e+00, v16;
	_ =	sdelay $0x1  }
0x123: {  	v48 =	vor.u32 v11, v44;
	v16 =	vadd.f32 v16, v5  }
0x124: {  	v49 =	vor.u32 v12, v44;
	v23 =	vmul.f32 $8.000000000e+00, v23  }
0x125: {  	v6 =	vor.u32 v13, v44;
	v50 =	vmul.f32 $8.000000000e+00, v46;
	[tilespmem:v45+s22+$0x0] =	vst.idx.msk $0xffff, v16  }
0x126: {  	v51 =	vmul.f32 $8.000000000e+00, v47;
	v16 =	vld [tilespmem:s14+$0x70];
	v23 =	vadd.f32 v23, v5  }
0x127: {  	v7 =	vadd.f32 v50, v5  }
0x128: {  	v5 =	vadd.f32 v51, v5;
	[tilespmem:v48+s22+$0x0] =	vst.idx.msk $0xffff, v23  }
0x129: {  	v52 =	vadd.s32 v3, v14;
	[tilespmem:v49+s22+$0x0] =	vst.idx.msk $0xffff, v7;
	v23 =	vld [tilespmem:s14+$0xFFFFFFB0]  }
0x12a: {  	v54 =	vor.u32 v15, v52;
	v56 =	vmul.f32 $8.000000000e+00, v25;
	v55 =	vld [tilespmem:s14+$0xFFFFFFF0];
	[tilespmem:v6+s22+$0x0] =	vst.idx.msk $0xffff, v5  }
0x12b: {  	[tilespmem:v24+s22+$0x0] =	vst.idx.msk $0xffff, v29;
	v8 =	vor.u32 v8, v22;
	v6 =	vld [tilespmem:s14+$0x30];
	v5 =	vmul.f32 $8.000000000e+00, v16  }
0x12c: {  	[tilespmem:v10+s22+$0x0] =	vst.idx.msk $0xffff, v19;
	v57 =	vmul.f32 $8.000000000e+00, v18;
	v59 =	vadd.f32 v56, v4  }
0x12d: {  	[tilespmem:v9+s22+$0x0] =	vst.idx.msk $0xffff, v20;
	v53 =	vmul.f32 $8.000000000e+00, v26;
	v58 =	vor.u32 v11, v52;
	v5 =	vadd.f32 v5, v4  }
0x12e: {  	v60 =	vor.u32 v12, v52;
	v9 =	vadd.f32 v57, v4;
	[tilespmem:v21+s22+$0x0] =	vst.idx.msk $0xffff, v59;
	v61 =	vmul.f32 $8.000000000e+00, v23  }
0x12f: {  	v62 =	vor.u32 v13, v52;
	v7 =	vadd.f32 v53, v4;
	[tilespmem:v54+s22+$0x0] =	vst.idx.msk $0xffff, v5;
	v5 =	vmul.f32 $8.000000000e+00, v55  }
0x130: {  	[tilespmem:v8+s22+$0x0] =	vst.idx.msk $0xffff, v9;
	v6 =	vmul.f32 $8.000000000e+00, v6;
	v63 =	vadd.f32 v61, v4  }
0x131: {  	s13 =	sshll.u32 s13, $0x12;
	[tilespmem:v17+s22+$0x0] =	vst.idx.msk $0xffff, v7;
	v5 =	vadd.f32 v5, v4  }
0x132: {  	s13 =	sor.u32 s7, s13;
	v4 =	vadd.f32 v6, v4;
	[tilespmem:v58+s22+$0x0] =	vst.idx.msk $0xffff, v63  }
0x133: {  	s13 =	sshrl.u32 s13, $0x3;
	[tilespmem:v60+s22+$0x0] =	vst.idx.msk $0xffff, v5  }
0x134: {  	s5 =	simm.s32 $0x13800;
	s14 =	sadd.s32 s2, s13;
	[tilespmem:v62+s22+$0x0] =	vst.idx.msk $0xffff, v4  }
0x135: {  	[hbm4b:s14+s3] =	stream.linear.scatter [tilespmem:s5], [sflag:$0x6], $0x80, $0x38;
	[tilespmem:$0x19E00] =	vst v63  }
0x136: {  	s6 =	simm.s32 $0x13888;
	s15 =	sadd.s32 $0x10, s14  }
0x137: {  	[hbm4b:s15+s3] =	stream.linear.scatter [tilespmem:s6], [sflag:$0x6], $0x80, $0x38;
	[tilespmem:$0x19E00] =	vst v63  }
0x138: {  	s16 =	simm.s32 $0x13910;
	s17 =	sadd.s32 $0x20, s14  }
0x139: {  	[hbm4b:s17+s3] =	stream.linear.scatter [tilespmem:s16], [sflag:$0x6], $0x80, $0x38;
	[tilespmem:$0x19E00] =	vst v63  }
0x13a: {  	s5 =	simm.s32 $0x13998;
	s6 =	sadd.s32 $0x30, s14  }
0x13b: {  	[hbm4b:s6+s3] =	stream.linear.scatter [tilespmem:s5], [sflag:$0x6], $0x80, $0x38;
	[tilespmem:$0x19E00] =	vst v63  }
0x13c: {  	s16 =	simm.s32 $0x13A20;
	s17 =	sadd.s32 $0x40, s14  }
0x13d: {  	[hbm4b:s17+s3] =	stream.linear.scatter [tilespmem:s16], [sflag:$0x6], $0x80, $0x38;
	[tilespmem:$0x19E00] =	vst v63  }
0x13e: {  	s13 =	simm.s32 $0x440;
	s5 =	simm.s32 $0x13AA8;
	s6 =	sadd.s32 $0x50, s14  }
0x13f: {  	[hbm4b:s6+s3] =	stream.linear.scatter [tilespmem:s5], [sflag:$0x6], $0x80, $0x38;
	[tilespmem:$0x19E00] =	vst v63  }
0x140: {  	s15 =	simm.s32 $0x2200;
	s16 =	simm.s32 $0x13B30;
	s17 =	sadd.s32 $0x60, s14  }
0x141: {  	[hbm4b:s17+s3] =	stream.linear.scatter [tilespmem:s16], [sflag:$0x6], $0x80, $0x38;
	[tilespmem:$0x19E00] =	vst v63  }
0x142: {  	s16 =	simm.s32 $0x13BB8;
	s17 =	sadd.s32 $0x70, s14;
	s14 =	sadd.s32 $0x1000, s14  }
.LBB2_9:
0x143: {  	[hbm4b:s17+s3] =	stream.linear.scatter [tilespmem:s16], [sflag:$0x6], $0x80, $0x38;
	[tilespmem:$0x19E00] =	vst v63  }
0x144: {  	s16 =	smov.u32 s13;
	s13 =	smov.u32 s15  }
0x145: {  	s5 =	sadd.s32 $0x1100, s15;
	s13 =	sshra.s32 s13, $0x2;
	s17 =	sadd.s32 $0x13800, s16  }
0x146: {  	[hbm4b:s14+s3] =	stream.linear.scatter [tilespmem:s17], [sflag:$0x6], $0x80, $0x38;
	[tilespmem:$0x19E00] =	vst v63  }
0x147: {  	p2 =	sne.s32 s15, $0x7700;
	s15 =	sadd.s32 $0x13888, s16;
	s17 =	sadd.s32 $0x10, s14  }
0x148: {  	[hbm4b:s17+s3] =	stream.linear.scatter [tilespmem:s15], [sflag:$0x6], $0x80, $0x38;
	[tilespmem:$0x19E00] =	vst v63  }
0x149: {  	s15 =	sadd.s32 $0x13910, s16;
	s17 =	sadd.s32 $0x20, s14  }
0x14a: {  	[hbm4b:s17+s3] =	stream.linear.scatter [tilespmem:s15], [sflag:$0x6], $0x80, $0x38;
	[tilespmem:$0x19E00] =	vst v63  }
0x14b: {  	s15 =	sadd.s32 $0x13998, s16;
	s17 =	sadd.s32 $0x30, s14  }
0x14c: {  	[hbm4b:s17+s3] =	stream.linear.scatter [tilespmem:s15], [sflag:$0x6], $0x80, $0x38;
	[tilespmem:$0x19E00] =	vst v63  }
0x14d: {  	s15 =	sadd.s32 $0x13A20, s16;
	s17 =	sadd.s32 $0x40, s14  }
0x14e: {  	[hbm4b:s17+s3] =	stream.linear.scatter [tilespmem:s15], [sflag:$0x6], $0x80, $0x38;
	[tilespmem:$0x19E00] =	vst v63  }
.Ltmp5:
0x14f: {  	s15 =	sadd.s32 $0x13AA8, s16;
	s17 =	sadd.s32 $0x50, s14;
	(pc) =	sbr.rel @p2 .LBB2_9-.Ltmp5, $4  }
0x150: {  	[hbm4b:s17+s3] =	stream.linear.scatter [tilespmem:s15], [sflag:$0x6], $0x80, $0x38;
	[tilespmem:$0x19E00] =	vst v63  }
0x151: {  	s15 =	sadd.s32 $0x13B30, s16;
	s17 =	sadd.s32 $0x60, s14;
	s16 =	sadd.s32 $0x13BB8, s16  }
0x152: {  	[hbm4b:s17+s3] =	stream.linear.scatter [tilespmem:s15], [sflag:$0x6], $0x80, $0x38;
	[tilespmem:$0x19E00] =	vst v63  }
0x153: {  	s17 =	sadd.s32 $0x70, s14;
	s14 =	sadd.s32 $0x1000, s14;
	s15 =	smov.u32 s5  }
0x154: {  	[hbm4b:s17+s3] =	stream.linear.scatter [tilespmem:s16], [sflag:$0x6], $0x80, $0x38;
	[tilespmem:$0x19E00] =	vst v63  }
0x155: {  	s5 =	sadd.s32 $0x13800, s13  }
0x156: {  	[hbm4b:s14+s3] =	stream.linear.scatter [tilespmem:s5], [sflag:$0x6], $0x80, $0x38;
	[tilespmem:$0x19E00] =	vst v63  }
0x157: {  	s16 =	sadd.s32 $0x13888, s13;
	s15 =	sadd.s32 $0x10, s14  }
0x158: {  	[hbm4b:s15+s3] =	stream.linear.scatter [tilespmem:s16], [sflag:$0x6], $0x80, $0x38;
	[tilespmem:$0x19E00] =	vst v63  }
0x159: {  	s17 =	sadd.s32 $0x13910, s13;
	s6 =	sadd.s32 $0x20, s14  }
0x15a: {  	[hbm4b:s6+s3] =	stream.linear.scatter [tilespmem:s17], [sflag:$0x6], $0x80, $0x38;
	[tilespmem:$0x19E00] =	vst v63  }
0x15b: {  	s15 =	sadd.s32 $0x13998, s13;
	s16 =	sadd.s32 $0x30, s14  }
0x15c: {  	[hbm4b:s16+s3] =	stream.linear.scatter [tilespmem:s15], [sflag:$0x6], $0x80, $0x38;
	[tilespmem:$0x19E00] =	vst v63  }
0x15d: {  	s17 =	sadd.s32 $0x13A20, s13;
	s6 =	sadd.s32 $0x40, s14  }
0x15e: {  	[hbm4b:s6+s3] =	stream.linear.scatter [tilespmem:s17], [sflag:$0x6], $0x80, $0x38;
	[tilespmem:$0x19E00] =	vst v63  }
0x15f: {  	s15 =	sadd.s32 $0x13AA8, s13;
	s16 =	sadd.s32 $0x50, s14  }
0x160: {  	[hbm4b:s16+s3] =	stream.linear.scatter [tilespmem:s15], [sflag:$0x6], $0x80, $0x38;
	[tilespmem:$0x19E00] =	vst v63  }
0x161: {  	s17 =	sadd.s32 $0x13B30, s13;
	s6 =	sadd.s32 $0x60, s14  }
0x162: {  	[hbm4b:s6+s3] =	stream.linear.scatter [tilespmem:s17], [sflag:$0x6], $0x80, $0x38;
	[tilespmem:$0x19E00] =	vst v63  }
0x163: {  	s13 =	sadd.s32 $0x13BB8, s13;
	s14 =	sadd.s32 $0x70, s14  }
0x164: {  	[hbm4b:s14+s3] =	stream.linear.scatter [tilespmem:s13], [sflag:$0x6], $0x80, $0x38;
	[tilespmem:$0x19E00] =	vst v63  }
0x165: {  	s5 =	sadd.s32 @!p1 $0x280, s12;
	s13 =	simm.s32 @!p1 $0x80;
	s14 =	simm.s32 @!p1 $0xB600  }
0x166: {  	[tilespmem:s14], [sflag:$0x2] =	stream.indirect.gather @!p1 [hbm4b:s4+s13], $0x40, s5, s13, $0xb8;
	[tilespmem:$0x19E00] =	vst v63  }
0x167: {  	_ =	swait.ge [sflag:s23], $0x2000  }
0x168: {  	[sflag:s23] =	ssyncset.done $0x0  }
0x169: {  	s5 =	simm.s32 @!p0 $0x7;
	[sflag:s23] =	ssyncadd.s32 $0xFFFFE000  }
0x16a: {  	_ =	swait.ge @!p0 [sflag:s5], $0x2000  }
0x16b: {  	s13 =	sor.u32 $0x2, s10;
	[sflag:s5] =	ssyncset.done @!p0 $0x0  }
0x16c: {  	s15 =	simm.s32 $0xD680;
	s17 =	sshll.u32 s13, $0x6;
	[sflag:s5] =	ssyncadd.s32 @!p0 $0xFFFFE000  }
0x16d: {  	s5 =	sand.u32 $0x3FFFFFC0, s17;
	v4 =	vld [tilespmem:s15+$0x40]  }
0x16e: {  	v8 =	vimm.s32 $0x0;
	v6 =	vld [tilespmem:s5+$0x6400]  }
0x16f: {  	v9 =	vand.u32 $0xFFFFFFF8, v8;
	v10 =	vand.u32 $0x4, v8;
	v11 =	vld [tilespmem:s15+$0xFFFFFFC0]  }
0x170: {  	v12 =	vadd.s32 v0, v9;
	v13 =	vor.u32 $0x3, v10;
	v14 =	vld [tilespmem:s15+$0x0]  }
0x171: {  	v15 =	vor.u32 v13, v12;
	v16 =	vld [tilespmem:s15+$0xFFFFFF80]  }
0x172: {  	v19 =	vor.u32 $0x1, v10;
	v4 =	vmul.f32 $8.000000000e+00, v4  }
0x173: {  	v22 =	vor.u32 $0x2, v10;
	v17 =	vor.u32 v19, v12  }
0x174: {  	v20 =	vor.u32 v22, v12;
	v7 =	vld [tilespmem:s5+$0x6410];
	v11 =	vmul.f32 $8.000000000e+00, v11;
	v18 =	vadd.f32 v4, v6  }
0x175: {  	v12 =	vor.u32 v10, v12;
	v5 =	vld [tilespmem:s5+$0x6420];
	v14 =	vmul.f32 $8.000000000e+00, v14  }
0x176: {  	v4 =	vld [tilespmem:s5+$0x6430];
	v11 =	vadd.f32 v11, v6;
	[tilespmem:v15+s24+$0x0] =	vst.idx.msk $0xffff, v18;
	v15 =	vmul.f32 $8.000000000e+00, v16  }
0x177: {  	v14 =	vadd.f32 v14, v6;
	v16 =	vld [tilespmem:s15+$0x50]  }
0x178: {  	[tilespmem:v17+s24+$0x0] =	vst.idx.msk $0xffff, v11;
	v15 =	vadd.f32 v15, v6  }
0x179: {  	[tilespmem:v20+s24+$0x0] =	vst.idx.msk $0xffff, v14;
	v11 =	vld [tilespmem:s15+$0xFFFFFFD0]  }
0x17a: {  	v14 =	vadd.s32 v1, v9;
	[tilespmem:v12+s24+$0x0] =	vst.idx.msk $0xffff, v15  }
0x17b: {  	v15 =	vor.u32 v13, v14;
	v17 =	vld [tilespmem:s15+$0xFFFFFF90]  }
0x17c: {  	v16 =	vmul.f32 $8.000000000e+00, v16;
	_ =	sdelay $0x1  }
0x17d: {  	v24 =	vor.u32 v19, v14;
	v12 =	vld [tilespmem:s15+$0x10];
	v11 =	vmul.f32 $8.000000000e+00, v11;
	v16 =	vadd.f32 v16, v7  }
0x17e: {  	s6 =	simm.s32 $0xD780;
	v23 =	vor.u32 v10, v14  }
0x17f: {  	v26 =	vadd.s32 $0x4, v8;
	v8 =	vadd.f32 v11, v7;
	v11 =	vld [tilespmem:s6+$0xFFFFFFC0];
	[tilespmem:v15+s24+$0x0] =	vst.idx.msk $0xffff, v16;
	v16 =	vmul.f32 $8.000000000e+00, v17  }
0x180: {  	v20 =	vand.u32 $0xFFFFFFF8, v26;
	v15 =	vld [tilespmem:s6+$0x40]  }
0x181: {  	v14 =	vor.u32 v22, v14;
	v17 =	vand.u32 $0x4, v26;
	v25 =	vld [tilespmem:s15+$0x60];
	v16 =	vadd.f32 v16, v7  }
0x182: {  	v28 =	vld [tilespmem:s6+$0x0];
	v27 =	vadd.s32 v0, v20;
	v12 =	vmul.f32 $8.000000000e+00, v12;
	[tilespmem:v24+s24+$0x0] =	vst.idx.msk $0xffff, v8;
	v18 =	vor.u32 $0x1, v17  }
0x183: {  	v31 =	vadd.s32 v2, v9;
	v29 =	vld [tilespmem:s6+$0xFFFFFF80];
	v21 =	vor.u32 $0x3, v17;
	v24 =	vor.u32 v18, v27;
	[tilespmem:v23+s24+$0x0] =	vst.idx.msk $0xffff, v16  }
0x184: {  	v12 =	vadd.f32 v12, v7;
	v30 =	vor.u32 v21, v27;
	v11 =	vmul.f32 $8.000000000e+00, v11;
	v23 =	vld [tilespmem:s15+$0xFFFFFFA0]  }
0x185: {  	v8 =	vor.u32 $0x2, v17;
	v33 =	vld [tilespmem:s15+$0xFFFFFFE0];
	v16 =	vor.u32 v13, v31;
	v15 =	vmul.f32 $8.000000000e+00, v15  }
0x186: {  	v32 =	vor.u32 v8, v27;
	[tilespmem:v14+s24+$0x0] =	vst.idx.msk $0xffff, v12;
	v11 =	vadd.f32 v11, v6;
	v25 =	vmul.f32 $8.000000000e+00, v25  }
0x187: {  	v12 =	vor.u32 v17, v27;
	v14 =	vmul.f32 $8.000000000e+00, v28;
	v27 =	vld [tilespmem:s15+$0x20];
	v15 =	vadd.f32 v15, v6  }
0x188: {  	v28 =	vmul.f32 $8.000000000e+00, v29;
	[tilespmem:v24+s24+$0x0] =	vst.idx.msk $0xffff, v11;
	v25 =	vadd.f32 v25, v5  }
0x189: {  	v14 =	vadd.f32 v14, v6;
	v24 =	vor.u32 v19, v31;
	[tilespmem:v30+s24+$0x0] =	vst.idx.msk $0xffff, v15;
	v30 =	vld [tilespmem:s6+$0xFFFFFFD0];
	v23 =	vmul.f32 $8.000000000e+00, v23  }
0x18a: {  	v29 =	vmul.f32 $8.000000000e+00, v33;
	v15 =	vld [tilespmem:s6+$0x50];
	[tilespmem:v16+s24+$0x0] =	vst.idx.msk $0xffff, v25;
	v16 =	vor.u32 v10, v31;
	v25 =	vadd.f32 v28, v6  }
0x18b: {  	v9 =	vadd.s32 v3, v9;
	[tilespmem:v32+s24+$0x0] =	vst.idx.msk $0xffff, v14;
	v11 =	vld [tilespmem:s15+$0x70];
	v14 =	vadd.f32 v23, v5  }
0x18c: {  	[tilespmem:v12+s24+$0x0] =	vst.idx.msk $0xffff, v25;
	v12 =	vadd.s32 v1, v20;
	v23 =	vld [tilespmem:s6+$0x10];
	v25 =	vmul.f32 $8.000000000e+00, v27;
	v27 =	vadd.f32 v29, v5  }
0x18d: {  	v34 =	vor.u32 v13, v9;
	v28 =	vor.u32 v22, v31;
	v29 =	vld [tilespmem:s6+$0xFFFFFF90];
	v31 =	vor.u32 v17, v12  }
0x18e: {  	v47 =	vor.u32 v21, v12;
	v48 =	vor.u32 v18, v12;
	[tilespmem:v24+s24+$0x0] =	vst.idx.msk $0xffff, v27  }
0x18f: {  	v35 =	vor.u32 v8, v12;
	v24 =	vadd.f32 v25, v5;
	v15 =	vmul.f32 $8.000000000e+00, v15;
	[tilespmem:v16+s24+$0x0] =	vst.idx.msk $0xffff, v14  }
0x190: {  	v13 =	vmul.f32 $8.000000000e+00, v30;
	v25 =	vor.u32 v10, v9;
	v12 =	vld [tilespmem:s15+$0xFFFFFFB0];
	v11 =	vmul.f32 $8.000000000e+00, v11  }
0x191: {  	s14 =	simm.s32 $0xD880;
	v10 =	vor.u32 v19, v9;
	v14 =	vadd.f32 v15, v7;
	v15 =	vld [tilespmem:s15+$0xFFFFFFF0];
	v16 =	vmul.f32 $8.000000000e+00, v23  }
0x192: {  	v9 =	vor.u32 v22, v9;
	v30 =	vld [tilespmem:s14+$0xFFFFFFC0];
	v23 =	vadd.f32 v11, v4;
	v11 =	vmul.f32 $8.000000000e+00, v29  }
0x193: {  	v19 =	vld [tilespmem:s14+$0x40];
	v13 =	vadd.f32 v13, v7;
	[tilespmem:v47+s24+$0x0] =	vst.idx.msk $0xffff, v14;
	v27 =	vadd.f32 v16, v7;
	v16 =	vadd.s32 $0x4, v26  }
0x194: {  	[tilespmem:v28+s24+$0x0] =	vst.idx.msk $0xffff, v24;
	v22 =	vadd.f32 v11, v7;
	v29 =	vld [tilespmem:s6+$0x60];
	v14 =	vand.u32 $0xFFFFFFF8, v16;
	v11 =	vand.u32 $0x4, v16  }
0x195: {  	v37 =	vld [tilespmem:s14+$0x0];
	[tilespmem:v48+s24+$0x0] =	vst.idx.msk $0xffff, v13;
	v26 =	vmul.f32 $8.000000000e+00, v12;
	v36 =	vadd.s32 v0, v14;
	v12 =	vor.u32 $0x1, v11  }
0x196: {  	[tilespmem:v35+s24+$0x0] =	vst.idx.msk $0xffff, v27;
	v27 =	vld [tilespmem:s15+$0x30];
	v49 =	vmul.f32 $8.000000000e+00, v15;
	v15 =	vor.u32 $0x3, v11;
	v28 =	vor.u32 v12, v36  }
0x197: {  	v38 =	vadd.s32 v2, v20;
	v30 =	vmul.f32 $8.000000000e+00, v30;
	[tilespmem:v31+s24+$0x0] =	vst.idx.msk $0xffff, v22;
	v22 =	vld [tilespmem:s14+$0xFFFFFF80];
	v31 =	vor.u32 v15, v36  }
0x198: {  	v52 =	vor.u32 v17, v38;
	v39 =	vor.u32 v21, v38;
	v19 =	vmul.f32 $8.000000000e+00, v19;
	v40 =	vld [tilespmem:s6+$0xFFFFFFE0]  }
0x199: {  	v13 =	vor.u32 $0x2, v11;
	v30 =	vadd.f32 v30, v6;
	v50 =	vld [tilespmem:s6+$0xFFFFFFA0];
	v29 =	vmul.f32 $8.000000000e+00, v29  }
0x19a: {  	[tilespmem:v34+s24+$0x0] =	vst.idx.msk $0xffff, v23;
	v19 =	vadd.f32 v19, v6;
	v51 =	vor.u32 v13, v36;
	v23 =	vld [tilespmem:s6+$0x20]  }
0x19b: {  	v53 =	vmul.f32 $8.000000000e+00, v37;
	v24 =	vor.u32 v11, v36;
	v29 =	vadd.f32 v29, v5;
	[tilespmem:v28+s24+$0x0] =	vst.idx.msk $0xffff, v30  }
0x19c: {  	v54 =	vor.u32 v18, v38;
	v56 =	vmul.f32 $8.000000000e+00, v27;
	v22 =	vmul.f32 $8.000000000e+00, v22;
	[tilespmem:v31+s24+$0x0] =	vst.idx.msk $0xffff, v19  }
0x19d: {  	v27 =	vadd.s32 v1, v14;
	v28 =	vmul.f32 $8.000000000e+00, v40;
	v19 =	vadd.f32 v53, v6;
	v55 =	vld [tilespmem:s14+$0x50];
	[tilespmem:v39+s24+$0x0] =	vst.idx.msk $0xffff, v29  }
0x19e: {  	v30 =	vadd.f32 v26, v4;
	v33 =	vmul.f32 $8.000000000e+00, v50;
	v22 =	vadd.f32 v22, v6;
	v29 =	vld [tilespmem:s6+$0x70]  }
0x19f: {  	v58 =	vmul.f32 $8.000000000e+00, v23;
	v23 =	vor.u32 v11, v27;
	v41 =	vor.u32 v15, v27;
	v57 =	vld [tilespmem:s14+$0xFFFFFFD0];
	[tilespmem:v51+s24+$0x0] =	vst.idx.msk $0xffff, v19  }
0x1a0: {  	v31 =	vor.u32 v8, v38;
	v26 =	vadd.f32 v33, v5;
	[tilespmem:v24+s24+$0x0] =	vst.idx.msk $0xffff, v22;
	v59 =	vld [tilespmem:s14+$0x10]  }
0x1a1: {  	v60 =	vadd.f32 v28, v5;
	v28 =	vor.u32 v12, v27;
	v22 =	vadd.s32 v3, v20;
	v61 =	vld [tilespmem:s14+$0xFFFFFF90]  }
0x1a2: {  	v27 =	vor.u32 v13, v27;
	[tilespmem:v52+s24+$0x0] =	vst.idx.msk $0xffff, v26;
	v24 =	vor.u32 v21, v22;
	v20 =	vmul.f32 $8.000000000e+00, v55  }
0x1a3: {  	v19 =	vadd.f32 v49, v4;
	[tilespmem:v54+s24+$0x0] =	vst.idx.msk $0xffff, v60;
	v21 =	vadd.f32 v58, v5;
	v26 =	vld [tilespmem:s6+$0xFFFFFFB0];
	v29 =	vmul.f32 $8.000000000e+00, v29  }
0x1a4: {  	[tilespmem:v25+s24+$0x0] =	vst.idx.msk $0xffff, v30;
	v25 =	vld [tilespmem:s6+$0xFFFFFFF0];
	v17 =	vor.u32 v17, v22;
	v62 =	vmul.f32 $8.000000000e+00, v57;
	v63 =	vadd.f32 v20, v7  }
0x1a5: {  	[tilespmem:v31+s24+$0x0] =	vst.idx.msk $0xffff, v21;
	v21 =	vor.u32 v18, v22;
	v30 =	vmul.f32 $8.000000000e+00, v59;
	v29 =	vadd.f32 v29, v4  }
0x1a6: {  	s16 =	simm.s32 $0x8;
	s17 =	simm.s32 $0xD980;
	v31 =	vadd.f32 v62, v7;
	v18 =	vld [tilespmem:s6+$0x30];
	v20 =	vadd.f32 v56, v4;
	v32 =	vmul.f32 $8.000000000e+00, v61;
	[tilespmem:v41+s24+$0x0] =	vst.idx.msk $0xffff, v63  }
.LBB2_11:
0x1a7: {  	v33 =	vld [tilespmem:s17+$0x40];
	v30 =	vadd.f32 v30, v7;
	v22 =	vor.u32 v8, v22;
	[tilespmem:v24+s24+$0x0] =	vst.idx.msk $0xffff, v29;
	v29 =	vmov v11  }
0x1a8: {  	s16 =	sadd.s32 $0x4, s16;
	v16 =	vadd.s32 $0x4, v16;
	v34 =	vmovc v12;
	v24 =	vadd.f32 v32, v7;
	[tilespmem:v28+s24+$0x0] =	vst.idx.msk $0xffff, v31;
	v28 =	vld [tilespmem:s14+$0x60];
	v26 =	vmul.f32 $8.000000000e+00, v26  }
0x1a9: {  	v8 =	vmovc v13;
	v31 =	vand.u32 $0xFFFFFFF8, v16;
	v11 =	vand.u32 $0x4, v16;
	p2 =	slt.u32 s16, $0x7C;
	v32 =	vld [tilespmem:s17+$0xFFFFFFC0];
	[tilespmem:v27+s24+$0x0] =	vst.idx.msk $0xffff, v30;
	v25 =	vmul.f32 $8.000000000e+00, v25;
	v27 =	vmovc v15  }
0x1aa: {  	v30 =	vadd.s32 v0, v31;
	v12 =	vor.u32 $0x1, v11;
	v15 =	vor.u32 $0x3, v11;
	v35 =	vld [tilespmem:s17+$0x0];
	[tilespmem:v23+s24+$0x0] =	vst.idx.msk $0xffff, v24  }
0x1ab: {  	v36 =	vadd.s32 v2, v14;
	v13 =	vor.u32 $0x2, v11;
	v24 =	vor.u32 v15, v30;
	v23 =	vld [tilespmem:s17+$0xFFFFFF80];
	[tilespmem:v10+s24+$0x0] =	vst.idx.msk $0xffff, v19  }
0x1ac: {  	v37 =	vor.u32 v11, v30;
	v38 =	vor.u32 v27, v36;
	v19 =	vmul.f32 $8.000000000e+00, v33;
	v33 =	vld [tilespmem:s14+$0xFFFFFFA0];
	[tilespmem:v9+s24+$0x0] =	vst.idx.msk $0xffff, v20  }
0x1ad: {  	v10 =	vmovc v21;
	v20 =	vor.u32 v12, v30;
	v30 =	vor.u32 v13, v30;
	v9 =	vmovc v22;
	v39 =	vld [tilespmem:s14+$0xFFFFFFE0];
	v28 =	vmul.f32 $8.000000000e+00, v28  }
0x1ae: {  	v21 =	vmul.f32 $8.000000000e+00, v32;
	v19 =	vadd.f32 v19, v6;
	v32 =	vor.u32 v29, v36;
	v22 =	vld [tilespmem:s14+$0x20]  }
0x1af: {  	v40 =	vor.u32 v34, v36;
	v35 =	vmul.f32 $8.000000000e+00, v35;
	v28 =	vadd.f32 v28, v5  }
0x1b0: {  	v36 =	vor.u32 v8, v36;
	v23 =	vmul.f32 $8.000000000e+00, v23;
	v21 =	vadd.f32 v21, v6;
	[tilespmem:v24+s24+$0x0] =	vst.idx.msk $0xffff, v19  }
0x1b1: {  	v18 =	vmul.f32 $8.000000000e+00, v18;
	v19 =	vadd.f32 v35, v6;
	v24 =	vld [tilespmem:s17+$0x50];
	v33 =	vmul.f32 $8.000000000e+00, v33;
	[tilespmem:v38+s24+$0x0] =	vst.idx.msk $0xffff, v28  }
0x1b2: {  	v35 =	vadd.f32 v26, v4;
	v23 =	vadd.f32 v23, v6;
	[tilespmem:v20+s24+$0x0] =	vst.idx.msk $0xffff, v21;
	v20 =	vmul.f32 $8.000000000e+00, v39;
	v21 =	vld [tilespmem:s14+$0x70]  }
0x1b3: {  	v38 =	vld [tilespmem:s17+$0xFFFFFFD0];
	[tilespmem:v30+s24+$0x0] =	vst.idx.msk $0xffff, v19;
	v26 =	vadd.f32 v33, v5;
	v30 =	vmul.f32 $8.000000000e+00, v22;
	v19 =	vadd.f32 v25, v4  }
0x1b4: {  	v25 =	vadd.s32 v1, v31;
	[tilespmem:v37+s24+$0x0] =	vst.idx.msk $0xffff, v23;
	v33 =	vld [tilespmem:s17+$0x10];
	v20 =	vadd.f32 v20, v5  }
0x1b5: {  	v22 =	vadd.s32 v3, v14;
	v14 =	vmovc v31;
	v23 =	vor.u32 v11, v25;
	v39 =	vor.u32 v15, v25;
	v37 =	vld [tilespmem:s17+$0xFFFFFF90]  }
.Ltmp6:
0x1b6: {  	v28 =	vor.u32 v12, v25;
	v31 =	vmul.f32 $8.000000000e+00, v24;
	[tilespmem:v32+s24+$0x0] =	vst.idx.msk $0xffff, v26;
	v24 =	vor.u32 v27, v22;
	(pc) =	sbr.rel @p2 .LBB2_11-.Ltmp6, $4  }
0x1b7: {  	v27 =	vor.u32 v13, v25;
	v32 =	vadd.f32 v30, v5;
	v26 =	vld [tilespmem:s14+$0xFFFFFFB0];
	[tilespmem:v40+s24+$0x0] =	vst.idx.msk $0xffff, v20;
	v21 =	vmul.f32 $8.000000000e+00, v21  }
0x1b8: {  	v20 =	vadd.f32 v18, v4;
	v38 =	vmul.f32 $8.000000000e+00, v38;
	v40 =	vadd.f32 v31, v7;
	v25 =	vld [tilespmem:s14+$0xFFFFFFF0];
	[tilespmem:v17+s24+$0x0] =	vst.idx.msk $0xffff, v35  }
0x1b9: {  	v17 =	vor.u32 v29, v22;
	v30 =	vmul.f32 $8.000000000e+00, v33;
	[tilespmem:v36+s24+$0x0] =	vst.idx.msk $0xffff, v32;
	v29 =	vadd.f32 v21, v4  }
0x1ba: {  	v21 =	vor.u32 v34, v22;
	v32 =	vmul.f32 $8.000000000e+00, v37;
	v31 =	vadd.f32 v38, v7;
	[tilespmem:v39+s24+$0x0] =	vst.idx.msk $0xffff, v40;
	v18 =	vld [tilespmem:s14+$0x30];
	s14 =	smov.u32 s17;
	s17 =	sadd.s32 $0x100, s17  }
0x1bb: {  	_ =	sdelay $0x1  }
0x1bc: {  	v16 =	vld [tilespmem:s14+$0x60];
	v6 =	vadd.f32 v32, v7;
	_ =	sdelay $0x1  }
0x1bd: {  	v43 =	vadd.f32 v30, v7;
	[tilespmem:v23+s24+$0x0] =	vst.idx.msk $0xffff, v6  }
0x1be: {  	v44 =	vadd.s32 v2, v14;
	[tilespmem:v28+s24+$0x0] =	vst.idx.msk $0xffff, v31;
	v23 =	vld [tilespmem:s14+$0xFFFFFFA0]  }
0x1bf: {  	v45 =	vor.u32 v15, v44;
	[tilespmem:v27+s24+$0x0] =	vst.idx.msk $0xffff, v43;
	v46 =	vld [tilespmem:s14+$0xFFFFFFE0]  }
0x1c0: {  	v47 =	vld [tilespmem:s14+$0x20];
	v16 =	vmul.f32 $8.000000000e+00, v16;
	_ =	sdelay $0x1  }
0x1c1: {  	v48 =	vor.u32 v11, v44;
	v16 =	vadd.f32 v16, v5  }
0x1c2: {  	v49 =	vor.u32 v12, v44;
	v23 =	vmul.f32 $8.000000000e+00, v23  }
0x1c3: {  	v6 =	vor.u32 v13, v44;
	v50 =	vmul.f32 $8.000000000e+00, v46;
	[tilespmem:v45+s24+$0x0] =	vst.idx.msk $0xffff, v16  }
0x1c4: {  	v51 =	vmul.f32 $8.000000000e+00, v47;
	v16 =	vld [tilespmem:s14+$0x70];
	v23 =	vadd.f32 v23, v5  }
0x1c5: {  	v7 =	vadd.f32 v50, v5  }
0x1c6: {  	v5 =	vadd.f32 v51, v5;
	[tilespmem:v48+s24+$0x0] =	vst.idx.msk $0xffff, v23  }
0x1c7: {  	v52 =	vadd.s32 v3, v14;
	[tilespmem:v49+s24+$0x0] =	vst.idx.msk $0xffff, v7;
	v23 =	vld [tilespmem:s14+$0xFFFFFFB0]  }
0x1c8: {  	v54 =	vor.u32 v15, v52;
	v56 =	vmul.f32 $8.000000000e+00, v25;
	v55 =	vld [tilespmem:s14+$0xFFFFFFF0];
	[tilespmem:v6+s24+$0x0] =	vst.idx.msk $0xffff, v5  }
0x1c9: {  	[tilespmem:v24+s24+$0x0] =	vst.idx.msk $0xffff, v29;
	v8 =	vor.u32 v8, v22;
	v6 =	vld [tilespmem:s14+$0x30];
	v5 =	vmul.f32 $8.000000000e+00, v16  }
0x1ca: {  	[tilespmem:v10+s24+$0x0] =	vst.idx.msk $0xffff, v19;
	v57 =	vmul.f32 $8.000000000e+00, v18;
	v59 =	vadd.f32 v56, v4  }
0x1cb: {  	[tilespmem:v9+s24+$0x0] =	vst.idx.msk $0xffff, v20;
	v53 =	vmul.f32 $8.000000000e+00, v26;
	v58 =	vor.u32 v11, v52;
	v5 =	vadd.f32 v5, v4  }
0x1cc: {  	v60 =	vor.u32 v12, v52;
	v9 =	vadd.f32 v57, v4;
	[tilespmem:v21+s24+$0x0] =	vst.idx.msk $0xffff, v59;
	v61 =	vmul.f32 $8.000000000e+00, v23  }
0x1cd: {  	v62 =	vor.u32 v13, v52;
	v7 =	vadd.f32 v53, v4;
	[tilespmem:v54+s24+$0x0] =	vst.idx.msk $0xffff, v5;
	v5 =	vmul.f32 $8.000000000e+00, v55  }
0x1ce: {  	[tilespmem:v8+s24+$0x0] =	vst.idx.msk $0xffff, v9;
	v6 =	vmul.f32 $8.000000000e+00, v6;
	v63 =	vadd.f32 v61, v4  }
0x1cf: {  	s5 =	sshll.u32 s13, $0x12;
	[tilespmem:v17+s24+$0x0] =	vst.idx.msk $0xffff, v7;
	v5 =	vadd.f32 v5, v4  }
0x1d0: {  	s5 =	sor.u32 s7, s5;
	v4 =	vadd.f32 v6, v4;
	[tilespmem:v58+s24+$0x0] =	vst.idx.msk $0xffff, v63  }
0x1d1: {  	s5 =	sshrl.u32 s5, $0x3;
	[tilespmem:v60+s24+$0x0] =	vst.idx.msk $0xffff, v5  }
0x1d2: {  	s5 =	sadd.s32 s2, s5;
	s14 =	simm.s32 $0x15A00;
	[tilespmem:v62+s24+$0x0] =	vst.idx.msk $0xffff, v4  }
0x1d3: {  	[hbm4b:s5+s3] =	stream.linear.scatter [tilespmem:s14], [sflag:$0x7], $0x80, $0x38;
	[tilespmem:$0x19E00] =	vst v63  }
0x1d4: {  	s15 =	simm.s32 $0x15A88;
	s16 =	sadd.s32 $0x10, s5  }
0x1d5: {  	[hbm4b:s16+s3] =	stream.linear.scatter [tilespmem:s15], [sflag:$0x7], $0x80, $0x38;
	[tilespmem:$0x19E00] =	vst v63  }
0x1d6: {  	s17 =	simm.s32 $0x15B10;
	s6 =	sadd.s32 $0x20, s5  }
0x1d7: {  	[hbm4b:s6+s3] =	stream.linear.scatter [tilespmem:s17], [sflag:$0x7], $0x80, $0x38;
	[tilespmem:$0x19E00] =	vst v63  }
0x1d8: {  	s15 =	simm.s32 $0x15B98;
	s16 =	sadd.s32 $0x30, s5  }
0x1d9: {  	[hbm4b:s16+s3] =	stream.linear.scatter [tilespmem:s15], [sflag:$0x7], $0x80, $0x38;
	[tilespmem:$0x19E00] =	vst v63  }
0x1da: {  	s17 =	simm.s32 $0x15C20;
	s6 =	sadd.s32 $0x40, s5  }
0x1db: {  	[hbm4b:s6+s3] =	stream.linear.scatter [tilespmem:s17], [sflag:$0x7], $0x80, $0x38;
	[tilespmem:$0x19E00] =	vst v63  }
0x1dc: {  	s13 =	simm.s32 $0x440;
	s14 =	simm.s32 $0x15CA8;
	s15 =	sadd.s32 $0x50, s5  }
0x1dd: {  	[hbm4b:s15+s3] =	stream.linear.scatter [tilespmem:s14], [sflag:$0x7], $0x80, $0x38;
	[tilespmem:$0x19E00] =	vst v63  }
0x1de: {  	s16 =	simm.s32 $0x15D30;
	s17 =	sadd.s32 $0x60, s5;
	s15 =	simm.s32 $0x2200  }
0x1df: {  	[hbm4b:s17+s3] =	stream.linear.scatter [tilespmem:s16], [sflag:$0x7], $0x80, $0x38;
	[tilespmem:$0x19E00] =	vst v63  }
0x1e0: {  	s14 =	sadd.s32 $0x1000, s5;
	s16 =	simm.s32 $0x15DB8;
	s17 =	sadd.s32 $0x70, s5  }
.LBB2_13:
0x1e1: {  	[hbm4b:s17+s3] =	stream.linear.scatter [tilespmem:s16], [sflag:$0x7], $0x80, $0x38;
	[tilespmem:$0x19E00] =	vst v63  }
0x1e2: {  	s5 =	smov.u32 s13;
	s13 =	smov.u32 s15  }
0x1e3: {  	s6 =	sadd.s32 $0x1100, s15;
	s13 =	sshra.s32 s13, $0x2;
	s16 =	sadd.s32 $0x15A00, s5  }
0x1e4: {  	[hbm4b:s14+s3] =	stream.linear.scatter [tilespmem:s16], [sflag:$0x7], $0x80, $0x38;
	[tilespmem:$0x19E00] =	vst v63  }
0x1e5: {  	p2 =	sne.s32 s15, $0x7700;
	s15 =	sadd.s32 $0x15A88, s5;
	s16 =	sadd.s32 $0x10, s14  }
0x1e6: {  	[hbm4b:s16+s3] =	stream.linear.scatter [tilespmem:s15], [sflag:$0x7], $0x80, $0x38;
	[tilespmem:$0x19E00] =	vst v63  }
0x1e7: {  	s15 =	sadd.s32 $0x15B10, s5;
	s16 =	sadd.s32 $0x20, s14  }
0x1e8: {  	[hbm4b:s16+s3] =	stream.linear.scatter [tilespmem:s15], [sflag:$0x7], $0x80, $0x38;
	[tilespmem:$0x19E00] =	vst v63  }
0x1e9: {  	s15 =	sadd.s32 $0x15B98, s5;
	s16 =	sadd.s32 $0x30, s14  }
0x1ea: {  	[hbm4b:s16+s3] =	stream.linear.scatter [tilespmem:s15], [sflag:$0x7], $0x80, $0x38;
	[tilespmem:$0x19E00] =	vst v63  }
0x1eb: {  	s15 =	sadd.s32 $0x15C20, s5;
	s16 =	sadd.s32 $0x40, s14  }
0x1ec: {  	[hbm4b:s16+s3] =	stream.linear.scatter [tilespmem:s15], [sflag:$0x7], $0x80, $0x38;
	[tilespmem:$0x19E00] =	vst v63  }
.Ltmp7:
0x1ed: {  	s15 =	sadd.s32 $0x15CA8, s5;
	s16 =	sadd.s32 $0x50, s14;
	(pc) =	sbr.rel @p2 .LBB2_13-.Ltmp7, $4  }
0x1ee: {  	[hbm4b:s16+s3] =	stream.linear.scatter [tilespmem:s15], [sflag:$0x7], $0x80, $0x38;
	[tilespmem:$0x19E00] =	vst v63  }
0x1ef: {  	s17 =	sadd.s32 $0x70, s14;
	s15 =	sadd.s32 $0x15D30, s5;
	s16 =	sadd.s32 $0x60, s14  }
0x1f0: {  	[hbm4b:s16+s3] =	stream.linear.scatter [tilespmem:s15], [sflag:$0x7], $0x80, $0x38;
	[tilespmem:$0x19E00] =	vst v63  }
0x1f1: {  	s14 =	sadd.s32 $0x1000, s14;
	s16 =	sadd.s32 $0x15DB8, s5;
	s15 =	smov.u32 s6  }
0x1f2: {  	[hbm4b:s17+s3] =	stream.linear.scatter [tilespmem:s16], [sflag:$0x7], $0x80, $0x38;
	[tilespmem:$0x19E00] =	vst v63  }
0x1f3: {  	s5 =	sadd.s32 $0x15A00, s13  }
0x1f4: {  	[hbm4b:s14+s3] =	stream.linear.scatter [tilespmem:s5], [sflag:$0x7], $0x80, $0x38;
	[tilespmem:$0x19E00] =	vst v63  }
0x1f5: {  	s15 =	sadd.s32 $0x15A88, s13;
	s6 =	sadd.s32 $0x10, s14  }
0x1f6: {  	[hbm4b:s6+s3] =	stream.linear.scatter [tilespmem:s15], [sflag:$0x7], $0x80, $0x38;
	[tilespmem:$0x19E00] =	vst v63  }
0x1f7: {  	s16 =	sadd.s32 $0x15B10, s13;
	s17 =	sadd.s32 $0x20, s14  }
0x1f8: {  	[hbm4b:s17+s3] =	stream.linear.scatter [tilespmem:s16], [sflag:$0x7], $0x80, $0x38;
	[tilespmem:$0x19E00] =	vst v63  }
0x1f9: {  	s6 =	sadd.s32 $0x15B98, s13;
	s15 =	sadd.s32 $0x30, s14  }
0x1fa: {  	[hbm4b:s15+s3] =	stream.linear.scatter [tilespmem:s6], [sflag:$0x7], $0x80, $0x38;
	[tilespmem:$0x19E00] =	vst v63  }
0x1fb: {  	s16 =	sadd.s32 $0x15C20, s13;
	s17 =	sadd.s32 $0x40, s14  }
0x1fc: {  	[hbm4b:s17+s3] =	stream.linear.scatter [tilespmem:s16], [sflag:$0x7], $0x80, $0x38;
	[tilespmem:$0x19E00] =	vst v63  }
0x1fd: {  	s6 =	sadd.s32 $0x15CA8, s13;
	s15 =	sadd.s32 $0x50, s14  }
0x1fe: {  	[hbm4b:s15+s3] =	stream.linear.scatter [tilespmem:s6], [sflag:$0x7], $0x80, $0x38;
	[tilespmem:$0x19E00] =	vst v63  }
0x1ff: {  	s16 =	sadd.s32 $0x15D30, s13;
	s17 =	sadd.s32 $0x60, s14  }
0x200: {  	[hbm4b:s17+s3] =	stream.linear.scatter [tilespmem:s16], [sflag:$0x7], $0x80, $0x38;
	[tilespmem:$0x19E00] =	vst v63  }
0x201: {  	s13 =	sadd.s32 $0x15DB8, s13;
	s14 =	sadd.s32 $0x70, s14  }
0x202: {  	[hbm4b:s14+s3] =	stream.linear.scatter [tilespmem:s13], [sflag:$0x7], $0x80, $0x38;
	[tilespmem:$0x19E00] =	vst v63  }
0x203: {  	s5 =	sadd.s32 @!p1 $0x300, s12;
	s12 =	simm.s32 @!p1 $0xD600;
	s6 =	simm.s32 @!p1 $0x80  }
0x204: {  	[tilespmem:s12], [sflag:$0x3] =	stream.indirect.gather @!p1 [hbm4b:s4+s6], $0x40, s5, s6, $0xb8;
	[tilespmem:$0x19E00] =	vst v63  }
0x205: {  	_ =	swait.ge [sflag:s25], $0x2000  }
0x206: {  	[sflag:s25] =	ssyncset.done $0x0  }
0x207: {  	s5 =	simm.s32 @!p0 $0x8;
	[sflag:s25] =	ssyncadd.s32 $0xFFFFE000  }
0x208: {  	_ =	swait.ge @!p0 [sflag:s5], $0x2000  }
0x209: {  	s10 =	sor.u32 $0x3, s10;
	[sflag:s5] =	ssyncset.done @!p0 $0x0  }
0x20a: {  	s15 =	simm.s32 $0xF680;
	s16 =	sshll.u32 s10, $0x6;
	[sflag:s5] =	ssyncadd.s32 @!p0 $0xFFFFE000  }
0x20b: {  	s5 =	sand.u32 $0x3FFFFFC0, s16;
	v4 =	vld [tilespmem:s15+$0x40]  }
0x20c: {  	v8 =	vimm.s32 $0x0;
	v6 =	vld [tilespmem:s5+$0x6400]  }
0x20d: {  	v9 =	vand.u32 $0xFFFFFFF8, v8;
	v10 =	vand.u32 $0x4, v8;
	v11 =	vld [tilespmem:s15+$0xFFFFFFC0]  }
0x20e: {  	v12 =	vadd.s32 v0, v9;
	v13 =	vor.u32 $0x3, v10;
	v14 =	vld [tilespmem:s15+$0x0]  }
0x20f: {  	v15 =	vor.u32 v13, v12;
	v16 =	vld [tilespmem:s15+$0xFFFFFF80]  }
0x210: {  	v19 =	vor.u32 $0x1, v10;
	v4 =	vmul.f32 $8.000000000e+00, v4  }
0x211: {  	v22 =	vor.u32 $0x2, v10;
	v17 =	vor.u32 v19, v12  }
0x212: {  	v20 =	vor.u32 v22, v12;
	v7 =	vld [tilespmem:s5+$0x6410];
	v11 =	vmul.f32 $8.000000000e+00, v11;
	v18 =	vadd.f32 v4, v6  }
0x213: {  	v12 =	vor.u32 v10, v12;
	v5 =	vld [tilespmem:s5+$0x6420];
	v14 =	vmul.f32 $8.000000000e+00, v14  }
0x214: {  	v4 =	vld [tilespmem:s5+$0x6430];
	v11 =	vadd.f32 v11, v6;
	[tilespmem:v15+s26+$0x0] =	vst.idx.msk $0xffff, v18;
	v15 =	vmul.f32 $8.000000000e+00, v16  }
0x215: {  	v14 =	vadd.f32 v14, v6;
	v16 =	vld [tilespmem:s15+$0x50]  }
0x216: {  	[tilespmem:v17+s26+$0x0] =	vst.idx.msk $0xffff, v11;
	v15 =	vadd.f32 v15, v6  }
0x217: {  	[tilespmem:v20+s26+$0x0] =	vst.idx.msk $0xffff, v14;
	v11 =	vld [tilespmem:s15+$0xFFFFFFD0]  }
0x218: {  	v14 =	vadd.s32 v1, v9;
	[tilespmem:v12+s26+$0x0] =	vst.idx.msk $0xffff, v15  }
0x219: {  	v15 =	vor.u32 v13, v14;
	v17 =	vld [tilespmem:s15+$0xFFFFFF90]  }
0x21a: {  	v16 =	vmul.f32 $8.000000000e+00, v16;
	_ =	sdelay $0x1  }
0x21b: {  	v24 =	vor.u32 v19, v14;
	v12 =	vld [tilespmem:s15+$0x10];
	v11 =	vmul.f32 $8.000000000e+00, v11;
	v16 =	vadd.f32 v16, v7  }
0x21c: {  	s17 =	simm.s32 $0xF780;
	v23 =	vor.u32 v10, v14  }
0x21d: {  	v26 =	vadd.s32 $0x4, v8;
	v8 =	vadd.f32 v11, v7;
	v11 =	vld [tilespmem:s17+$0xFFFFFFC0];
	[tilespmem:v15+s26+$0x0] =	vst.idx.msk $0xffff, v16;
	v16 =	vmul.f32 $8.000000000e+00, v17  }
0x21e: {  	v20 =	vand.u32 $0xFFFFFFF8, v26;
	v15 =	vld [tilespmem:s17+$0x40]  }
0x21f: {  	v14 =	vor.u32 v22, v14;
	v17 =	vand.u32 $0x4, v26;
	v25 =	vld [tilespmem:s15+$0x60];
	v16 =	vadd.f32 v16, v7  }
0x220: {  	v28 =	vld [tilespmem:s17+$0x0];
	v27 =	vadd.s32 v0, v20;
	v12 =	vmul.f32 $8.000000000e+00, v12;
	[tilespmem:v24+s26+$0x0] =	vst.idx.msk $0xffff, v8;
	v18 =	vor.u32 $0x1, v17  }
0x221: {  	v31 =	vadd.s32 v2, v9;
	v29 =	vld [tilespmem:s17+$0xFFFFFF80];
	v21 =	vor.u32 $0x3, v17;
	v24 =	vor.u32 v18, v27;
	[tilespmem:v23+s26+$0x0] =	vst.idx.msk $0xffff, v16  }
0x222: {  	v12 =	vadd.f32 v12, v7;
	v30 =	vor.u32 v21, v27;
	v11 =	vmul.f32 $8.000000000e+00, v11;
	v23 =	vld [tilespmem:s15+$0xFFFFFFA0]  }
0x223: {  	v8 =	vor.u32 $0x2, v17;
	v33 =	vld [tilespmem:s15+$0xFFFFFFE0];
	v16 =	vor.u32 v13, v31;
	v15 =	vmul.f32 $8.000000000e+00, v15  }
0x224: {  	v32 =	vor.u32 v8, v27;
	[tilespmem:v14+s26+$0x0] =	vst.idx.msk $0xffff, v12;
	v11 =	vadd.f32 v11, v6;
	v25 =	vmul.f32 $8.000000000e+00, v25  }
0x225: {  	v12 =	vor.u32 v17, v27;
	v14 =	vmul.f32 $8.000000000e+00, v28;
	v27 =	vld [tilespmem:s15+$0x20];
	v15 =	vadd.f32 v15, v6  }
0x226: {  	v28 =	vmul.f32 $8.000000000e+00, v29;
	[tilespmem:v24+s26+$0x0] =	vst.idx.msk $0xffff, v11;
	v25 =	vadd.f32 v25, v5  }
0x227: {  	v14 =	vadd.f32 v14, v6;
	v24 =	vor.u32 v19, v31;
	[tilespmem:v30+s26+$0x0] =	vst.idx.msk $0xffff, v15;
	v30 =	vld [tilespmem:s17+$0xFFFFFFD0];
	v23 =	vmul.f32 $8.000000000e+00, v23  }
0x228: {  	v29 =	vmul.f32 $8.000000000e+00, v33;
	v15 =	vld [tilespmem:s17+$0x50];
	[tilespmem:v16+s26+$0x0] =	vst.idx.msk $0xffff, v25;
	v16 =	vor.u32 v10, v31;
	v25 =	vadd.f32 v28, v6  }
0x229: {  	v9 =	vadd.s32 v3, v9;
	[tilespmem:v32+s26+$0x0] =	vst.idx.msk $0xffff, v14;
	v11 =	vld [tilespmem:s15+$0x70];
	v14 =	vadd.f32 v23, v5  }
0x22a: {  	[tilespmem:v12+s26+$0x0] =	vst.idx.msk $0xffff, v25;
	v12 =	vadd.s32 v1, v20;
	v23 =	vld [tilespmem:s17+$0x10];
	v25 =	vmul.f32 $8.000000000e+00, v27;
	v27 =	vadd.f32 v29, v5  }
0x22b: {  	v34 =	vor.u32 v13, v9;
	v28 =	vor.u32 v22, v31;
	v29 =	vld [tilespmem:s17+$0xFFFFFF90];
	v31 =	vor.u32 v17, v12  }
0x22c: {  	v47 =	vor.u32 v21, v12;
	v48 =	vor.u32 v18, v12;
	[tilespmem:v24+s26+$0x0] =	vst.idx.msk $0xffff, v27  }
0x22d: {  	v35 =	vor.u32 v8, v12;
	v24 =	vadd.f32 v25, v5;
	v15 =	vmul.f32 $8.000000000e+00, v15;
	[tilespmem:v16+s26+$0x0] =	vst.idx.msk $0xffff, v14  }
0x22e: {  	v13 =	vmul.f32 $8.000000000e+00, v30;
	v25 =	vor.u32 v10, v9;
	v12 =	vld [tilespmem:s15+$0xFFFFFFB0];
	v11 =	vmul.f32 $8.000000000e+00, v11  }
0x22f: {  	s12 =	simm.s32 $0xF880;
	v10 =	vor.u32 v19, v9;
	v14 =	vadd.f32 v15, v7;
	v15 =	vld [tilespmem:s15+$0xFFFFFFF0];
	v16 =	vmul.f32 $8.000000000e+00, v23  }
0x230: {  	v9 =	vor.u32 v22, v9;
	v30 =	vld [tilespmem:s12+$0xFFFFFFC0];
	v23 =	vadd.f32 v11, v4;
	v11 =	vmul.f32 $8.000000000e+00, v29  }
0x231: {  	v19 =	vld [tilespmem:s12+$0x40];
	v13 =	vadd.f32 v13, v7;
	[tilespmem:v47+s26+$0x0] =	vst.idx.msk $0xffff, v14;
	v27 =	vadd.f32 v16, v7;
	v16 =	vadd.s32 $0x4, v26  }
0x232: {  	[tilespmem:v28+s26+$0x0] =	vst.idx.msk $0xffff, v24;
	v22 =	vadd.f32 v11, v7;
	v29 =	vld [tilespmem:s17+$0x60];
	v14 =	vand.u32 $0xFFFFFFF8, v16;
	v11 =	vand.u32 $0x4, v16  }
0x233: {  	v37 =	vld [tilespmem:s12+$0x0];
	[tilespmem:v48+s26+$0x0] =	vst.idx.msk $0xffff, v13;
	v26 =	vmul.f32 $8.000000000e+00, v12;
	v36 =	vadd.s32 v0, v14;
	v12 =	vor.u32 $0x1, v11  }
0x234: {  	[tilespmem:v35+s26+$0x0] =	vst.idx.msk $0xffff, v27;
	v27 =	vld [tilespmem:s15+$0x30];
	v49 =	vmul.f32 $8.000000000e+00, v15;
	v15 =	vor.u32 $0x3, v11;
	v28 =	vor.u32 v12, v36  }
0x235: {  	v38 =	vadd.s32 v2, v20;
	v30 =	vmul.f32 $8.000000000e+00, v30;
	[tilespmem:v31+s26+$0x0] =	vst.idx.msk $0xffff, v22;
	v22 =	vld [tilespmem:s12+$0xFFFFFF80];
	v31 =	vor.u32 v15, v36  }
0x236: {  	v52 =	vor.u32 v17, v38;
	v39 =	vor.u32 v21, v38;
	v19 =	vmul.f32 $8.000000000e+00, v19;
	v40 =	vld [tilespmem:s17+$0xFFFFFFE0]  }
0x237: {  	v13 =	vor.u32 $0x2, v11;
	v30 =	vadd.f32 v30, v6;
	v50 =	vld [tilespmem:s17+$0xFFFFFFA0];
	v29 =	vmul.f32 $8.000000000e+00, v29  }
0x238: {  	[tilespmem:v34+s26+$0x0] =	vst.idx.msk $0xffff, v23;
	v19 =	vadd.f32 v19, v6;
	v51 =	vor.u32 v13, v36;
	v23 =	vld [tilespmem:s17+$0x20]  }
0x239: {  	v53 =	vmul.f32 $8.000000000e+00, v37;
	v24 =	vor.u32 v11, v36;
	v29 =	vadd.f32 v29, v5;
	[tilespmem:v28+s26+$0x0] =	vst.idx.msk $0xffff, v30  }
0x23a: {  	v54 =	vor.u32 v18, v38;
	v56 =	vmul.f32 $8.000000000e+00, v27;
	v22 =	vmul.f32 $8.000000000e+00, v22;
	[tilespmem:v31+s26+$0x0] =	vst.idx.msk $0xffff, v19  }
0x23b: {  	v27 =	vadd.s32 v1, v14;
	v28 =	vmul.f32 $8.000000000e+00, v40;
	v19 =	vadd.f32 v53, v6;
	v55 =	vld [tilespmem:s12+$0x50];
	[tilespmem:v39+s26+$0x0] =	vst.idx.msk $0xffff, v29  }
0x23c: {  	v30 =	vadd.f32 v26, v4;
	v33 =	vmul.f32 $8.000000000e+00, v50;
	v22 =	vadd.f32 v22, v6;
	v29 =	vld [tilespmem:s17+$0x70]  }
0x23d: {  	v58 =	vmul.f32 $8.000000000e+00, v23;
	v23 =	vor.u32 v11, v27;
	v41 =	vor.u32 v15, v27;
	v57 =	vld [tilespmem:s12+$0xFFFFFFD0];
	[tilespmem:v51+s26+$0x0] =	vst.idx.msk $0xffff, v19  }
0x23e: {  	v31 =	vor.u32 v8, v38;
	v26 =	vadd.f32 v33, v5;
	[tilespmem:v24+s26+$0x0] =	vst.idx.msk $0xffff, v22;
	v59 =	vld [tilespmem:s12+$0x10]  }
0x23f: {  	v60 =	vadd.f32 v28, v5;
	v28 =	vor.u32 v12, v27;
	v22 =	vadd.s32 v3, v20;
	v61 =	vld [tilespmem:s12+$0xFFFFFF90]  }
0x240: {  	v27 =	vor.u32 v13, v27;
	[tilespmem:v52+s26+$0x0] =	vst.idx.msk $0xffff, v26;
	v24 =	vor.u32 v21, v22;
	v20 =	vmul.f32 $8.000000000e+00, v55  }
0x241: {  	v19 =	vadd.f32 v49, v4;
	[tilespmem:v54+s26+$0x0] =	vst.idx.msk $0xffff, v60;
	v21 =	vadd.f32 v58, v5;
	v26 =	vld [tilespmem:s17+$0xFFFFFFB0];
	v29 =	vmul.f32 $8.000000000e+00, v29  }
0x242: {  	[tilespmem:v25+s26+$0x0] =	vst.idx.msk $0xffff, v30;
	v25 =	vld [tilespmem:s17+$0xFFFFFFF0];
	v17 =	vor.u32 v17, v22;
	v62 =	vmul.f32 $8.000000000e+00, v57;
	v63 =	vadd.f32 v20, v7  }
0x243: {  	[tilespmem:v31+s26+$0x0] =	vst.idx.msk $0xffff, v21;
	v21 =	vor.u32 v18, v22;
	v30 =	vmul.f32 $8.000000000e+00, v59;
	v29 =	vadd.f32 v29, v4  }
0x244: {  	s14 =	simm.s32 $0x8;
	s15 =	simm.s32 $0xF980;
	v31 =	vadd.f32 v62, v7;
	v18 =	vld [tilespmem:s17+$0x30];
	v20 =	vadd.f32 v56, v4;
	v32 =	vmul.f32 $8.000000000e+00, v61;
	[tilespmem:v41+s26+$0x0] =	vst.idx.msk $0xffff, v63  }
.LBB2_15:
0x245: {  	v33 =	vld [tilespmem:s15+$0x40];
	v30 =	vadd.f32 v30, v7;
	v22 =	vor.u32 v8, v22;
	[tilespmem:v24+s26+$0x0] =	vst.idx.msk $0xffff, v29;
	v29 =	vmov v11  }
0x246: {  	s14 =	sadd.s32 $0x4, s14;
	v16 =	vadd.s32 $0x4, v16;
	v34 =	vmovc v12;
	v24 =	vadd.f32 v32, v7;
	[tilespmem:v28+s26+$0x0] =	vst.idx.msk $0xffff, v31;
	v28 =	vld [tilespmem:s12+$0x60];
	v26 =	vmul.f32 $8.000000000e+00, v26  }
0x247: {  	v8 =	vmovc v13;
	v31 =	vand.u32 $0xFFFFFFF8, v16;
	v11 =	vand.u32 $0x4, v16;
	p0 =	slt.u32 s14, $0x7C;
	v32 =	vld [tilespmem:s15+$0xFFFFFFC0];
	[tilespmem:v27+s26+$0x0] =	vst.idx.msk $0xffff, v30;
	v25 =	vmul.f32 $8.000000000e+00, v25;
	v27 =	vmovc v15  }
0x248: {  	v30 =	vadd.s32 v0, v31;
	v12 =	vor.u32 $0x1, v11;
	v15 =	vor.u32 $0x3, v11;
	v35 =	vld [tilespmem:s15+$0x0];
	[tilespmem:v23+s26+$0x0] =	vst.idx.msk $0xffff, v24  }
0x249: {  	v36 =	vadd.s32 v2, v14;
	v13 =	vor.u32 $0x2, v11;
	v24 =	vor.u32 v15, v30;
	v23 =	vld [tilespmem:s15+$0xFFFFFF80];
	[tilespmem:v10+s26+$0x0] =	vst.idx.msk $0xffff, v19  }
0x24a: {  	v37 =	vor.u32 v11, v30;
	v38 =	vor.u32 v27, v36;
	v19 =	vmul.f32 $8.000000000e+00, v33;
	v33 =	vld [tilespmem:s12+$0xFFFFFFA0];
	[tilespmem:v9+s26+$0x0] =	vst.idx.msk $0xffff, v20  }
0x24b: {  	v10 =	vmovc v21;
	v20 =	vor.u32 v12, v30;
	v30 =	vor.u32 v13, v30;
	v9 =	vmovc v22;
	v39 =	vld [tilespmem:s12+$0xFFFFFFE0];
	v28 =	vmul.f32 $8.000000000e+00, v28  }
0x24c: {  	v21 =	vmul.f32 $8.000000000e+00, v32;
	v19 =	vadd.f32 v19, v6;
	v32 =	vor.u32 v29, v36;
	v22 =	vld [tilespmem:s12+$0x20]  }
0x24d: {  	v40 =	vor.u32 v34, v36;
	v35 =	vmul.f32 $8.000000000e+00, v35;
	v28 =	vadd.f32 v28, v5  }
0x24e: {  	v36 =	vor.u32 v8, v36;
	v23 =	vmul.f32 $8.000000000e+00, v23;
	v21 =	vadd.f32 v21, v6;
	[tilespmem:v24+s26+$0x0] =	vst.idx.msk $0xffff, v19  }
0x24f: {  	v18 =	vmul.f32 $8.000000000e+00, v18;
	v19 =	vadd.f32 v35, v6;
	v24 =	vld [tilespmem:s15+$0x50];
	v33 =	vmul.f32 $8.000000000e+00, v33;
	[tilespmem:v38+s26+$0x0] =	vst.idx.msk $0xffff, v28  }
0x250: {  	v35 =	vadd.f32 v26, v4;
	v23 =	vadd.f32 v23, v6;
	[tilespmem:v20+s26+$0x0] =	vst.idx.msk $0xffff, v21;
	v20 =	vmul.f32 $8.000000000e+00, v39;
	v21 =	vld [tilespmem:s12+$0x70]  }
0x251: {  	v38 =	vld [tilespmem:s15+$0xFFFFFFD0];
	[tilespmem:v30+s26+$0x0] =	vst.idx.msk $0xffff, v19;
	v26 =	vadd.f32 v33, v5;
	v30 =	vmul.f32 $8.000000000e+00, v22;
	v19 =	vadd.f32 v25, v4  }
0x252: {  	v25 =	vadd.s32 v1, v31;
	[tilespmem:v37+s26+$0x0] =	vst.idx.msk $0xffff, v23;
	v33 =	vld [tilespmem:s15+$0x10];
	v20 =	vadd.f32 v20, v5  }
0x253: {  	v22 =	vadd.s32 v3, v14;
	v14 =	vmovc v31;
	v23 =	vor.u32 v11, v25;
	v39 =	vor.u32 v15, v25;
	v37 =	vld [tilespmem:s15+$0xFFFFFF90]  }
.Ltmp8:
0x254: {  	v28 =	vor.u32 v12, v25;
	v31 =	vmul.f32 $8.000000000e+00, v24;
	[tilespmem:v32+s26+$0x0] =	vst.idx.msk $0xffff, v26;
	v24 =	vor.u32 v27, v22;
	(pc) =	sbr.rel @p0 .LBB2_15-.Ltmp8, $4  }
0x255: {  	v27 =	vor.u32 v13, v25;
	v32 =	vadd.f32 v30, v5;
	v26 =	vld [tilespmem:s12+$0xFFFFFFB0];
	[tilespmem:v40+s26+$0x0] =	vst.idx.msk $0xffff, v20;
	v21 =	vmul.f32 $8.000000000e+00, v21  }
0x256: {  	v20 =	vadd.f32 v18, v4;
	v38 =	vmul.f32 $8.000000000e+00, v38;
	v40 =	vadd.f32 v31, v7;
	v25 =	vld [tilespmem:s12+$0xFFFFFFF0];
	[tilespmem:v17+s26+$0x0] =	vst.idx.msk $0xffff, v35  }
0x257: {  	v17 =	vor.u32 v29, v22;
	v30 =	vmul.f32 $8.000000000e+00, v33;
	[tilespmem:v36+s26+$0x0] =	vst.idx.msk $0xffff, v32;
	v29 =	vadd.f32 v21, v4  }
0x258: {  	v21 =	vor.u32 v34, v22;
	v32 =	vmul.f32 $8.000000000e+00, v37;
	v31 =	vadd.f32 v38, v7;
	[tilespmem:v39+s26+$0x0] =	vst.idx.msk $0xffff, v40;
	v18 =	vld [tilespmem:s12+$0x30];
	s12 =	smov.u32 s15;
	s15 =	sadd.s32 $0x100, s15  }
0x259: {  	_ =	sdelay $0x1  }
0x25a: {  	v16 =	vld [tilespmem:s12+$0x60];
	v6 =	vadd.f32 v32, v7;
	_ =	sdelay $0x1  }
0x25b: {  	v43 =	vadd.f32 v30, v7;
	[tilespmem:v23+s26+$0x0] =	vst.idx.msk $0xffff, v6  }
0x25c: {  	v44 =	vadd.s32 v2, v14;
	[tilespmem:v28+s26+$0x0] =	vst.idx.msk $0xffff, v31;
	v23 =	vld [tilespmem:s12+$0xFFFFFFA0]  }
0x25d: {  	v45 =	vor.u32 v15, v44;
	[tilespmem:v27+s26+$0x0] =	vst.idx.msk $0xffff, v43;
	v46 =	vld [tilespmem:s12+$0xFFFFFFE0]  }
0x25e: {  	v47 =	vld [tilespmem:s12+$0x20];
	v16 =	vmul.f32 $8.000000000e+00, v16;
	_ =	sdelay $0x1  }
0x25f: {  	v48 =	vor.u32 v11, v44;
	v16 =	vadd.f32 v16, v5  }
0x260: {  	v49 =	vor.u32 v12, v44;
	v23 =	vmul.f32 $8.000000000e+00, v23  }
0x261: {  	v6 =	vor.u32 v13, v44;
	v50 =	vmul.f32 $8.000000000e+00, v46;
	[tilespmem:v45+s26+$0x0] =	vst.idx.msk $0xffff, v16  }
0x262: {  	v51 =	vmul.f32 $8.000000000e+00, v47;
	v16 =	vld [tilespmem:s12+$0x70];
	v23 =	vadd.f32 v23, v5  }
0x263: {  	v7 =	vadd.f32 v50, v5  }
0x264: {  	v5 =	vadd.f32 v51, v5;
	[tilespmem:v48+s26+$0x0] =	vst.idx.msk $0xffff, v23  }
0x265: {  	v52 =	vadd.s32 v3, v14;
	[tilespmem:v49+s26+$0x0] =	vst.idx.msk $0xffff, v7;
	v23 =	vld [tilespmem:s12+$0xFFFFFFB0]  }
0x266: {  	v54 =	vor.u32 v15, v52;
	v56 =	vmul.f32 $8.000000000e+00, v25;
	v55 =	vld [tilespmem:s12+$0xFFFFFFF0];
	[tilespmem:v6+s26+$0x0] =	vst.idx.msk $0xffff, v5  }
0x267: {  	[tilespmem:v24+s26+$0x0] =	vst.idx.msk $0xffff, v29;
	v8 =	vor.u32 v8, v22;
	v6 =	vld [tilespmem:s12+$0x30];
	v5 =	vmul.f32 $8.000000000e+00, v16  }
0x268: {  	[tilespmem:v10+s26+$0x0] =	vst.idx.msk $0xffff, v19;
	v57 =	vmul.f32 $8.000000000e+00, v18;
	v59 =	vadd.f32 v56, v4  }
0x269: {  	[tilespmem:v9+s26+$0x0] =	vst.idx.msk $0xffff, v20;
	v53 =	vmul.f32 $8.000000000e+00, v26;
	v58 =	vor.u32 v11, v52;
	v5 =	vadd.f32 v5, v4  }
0x26a: {  	v60 =	vor.u32 v12, v52;
	v9 =	vadd.f32 v57, v4;
	[tilespmem:v21+s26+$0x0] =	vst.idx.msk $0xffff, v59;
	v61 =	vmul.f32 $8.000000000e+00, v23  }
0x26b: {  	v62 =	vor.u32 v13, v52;
	v7 =	vadd.f32 v53, v4;
	[tilespmem:v54+s26+$0x0] =	vst.idx.msk $0xffff, v5;
	v5 =	vmul.f32 $8.000000000e+00, v55  }
0x26c: {  	[tilespmem:v8+s26+$0x0] =	vst.idx.msk $0xffff, v9;
	v6 =	vmul.f32 $8.000000000e+00, v6;
	v63 =	vadd.f32 v61, v4  }
0x26d: {  	s5 =	sshll.u32 s10, $0x12;
	[tilespmem:v17+s26+$0x0] =	vst.idx.msk $0xffff, v7;
	v5 =	vadd.f32 v5, v4  }
0x26e: {  	s5 =	sor.u32 s7, s5;
	v4 =	vadd.f32 v6, v4;
	[tilespmem:v58+s26+$0x0] =	vst.idx.msk $0xffff, v63  }
0x26f: {  	s5 =	sshrl.u32 s5, $0x3;
	[tilespmem:v60+s26+$0x0] =	vst.idx.msk $0xffff, v5  }
0x270: {  	s6 =	simm.s32 $0x17C00;
	s5 =	sadd.s32 s2, s5;
	[tilespmem:v62+s26+$0x0] =	vst.idx.msk $0xffff, v4  }
0x271: {  	[hbm4b:s5+s3] =	stream.linear.scatter [tilespmem:s6], [sflag:$0x8], $0x80, $0x38;
	[tilespmem:$0x19E00] =	vst v63  }
0x272: {  	s13 =	sadd.s32 $0x10, s5;
	s12 =	simm.s32 $0x17C88  }
0x273: {  	[hbm4b:s13+s3] =	stream.linear.scatter [tilespmem:s12], [sflag:$0x8], $0x80, $0x38;
	[tilespmem:$0x19E00] =	vst v63  }
0x274: {  	s14 =	simm.s32 $0x17D10;
	s16 =	simm.s32 $0x17D98;
	s15 =	sadd.s32 $0x20, s5  }
0x275: {  	[hbm4b:s15+s3] =	stream.linear.scatter [tilespmem:s14], [sflag:$0x8], $0x80, $0x38;
	[tilespmem:$0x19E00] =	vst v63  }
0x276: {  	s10 =	simm.s32 $0x440;
	s17 =	sadd.s32 $0x30, s5;
	s12 =	simm.s32 $0x17E20  }
0x277: {  	[hbm4b:s17+s3] =	stream.linear.scatter [tilespmem:s16], [sflag:$0x8], $0x80, $0x38;
	[tilespmem:$0x19E00] =	vst v63  }
0x278: {  	s13 =	sadd.s32 $0x40, s5;
	s14 =	simm.s32 $0x17EA8;
	s15 =	sadd.s32 $0x50, s5  }
0x279: {  	[hbm4b:s13+s3] =	stream.linear.scatter [tilespmem:s12], [sflag:$0x8], $0x80, $0x38;
	[tilespmem:$0x19E00] =	vst v63  }
0x27a: {  	s16 =	simm.s32 $0x17F30;
	s17 =	sadd.s32 $0x60, s5;
	s13 =	simm.s32 $0x2200  }
0x27b: {  	[hbm4b:s15+s3] =	stream.linear.scatter [tilespmem:s14], [sflag:$0x8], $0x80, $0x38;
	[tilespmem:$0x19E00] =	vst v63  }
0x27c: {  	s12 =	sadd.s32 $0x1000, s5;
	s14 =	simm.s32 $0x17FB8;
	s15 =	sadd.s32 $0x70, s5  }
0x27d: {  	[hbm4b:s17+s3] =	stream.linear.scatter [tilespmem:s16], [sflag:$0x8], $0x80, $0x38;
	[tilespmem:$0x19E00] =	vst v63  }
.LBB2_17:
0x27e: {  	[hbm4b:s15+s3] =	stream.linear.scatter [tilespmem:s14], [sflag:$0x8], $0x80, $0x38;
	[tilespmem:$0x19E00] =	vst v63  }
0x27f: {  	s5 =	smov.u32 s10;
	s6 =	smov.u32 s13  }
0x280: {  	s10 =	sshra.s32 s6, $0x2;
	s6 =	sadd.s32 $0x1100, s13;
	s14 =	sadd.s32 $0x17C00, s5  }
0x281: {  	[hbm4b:s12+s3] =	stream.linear.scatter [tilespmem:s14], [sflag:$0x8], $0x80, $0x38;
	[tilespmem:$0x19E00] =	vst v63  }
0x282: {  	p0 =	sne.s32 s13, $0x7700;
	s13 =	sadd.s32 $0x17C88, s5;
	s14 =	sadd.s32 $0x10, s12  }
0x283: {  	[hbm4b:s14+s3] =	stream.linear.scatter [tilespmem:s13], [sflag:$0x8], $0x80, $0x38;
	[tilespmem:$0x19E00] =	vst v63  }
0x284: {  	s13 =	sadd.s32 $0x17D10, s5;
	s14 =	sadd.s32 $0x20, s12  }
0x285: {  	[hbm4b:s14+s3] =	stream.linear.scatter [tilespmem:s13], [sflag:$0x8], $0x80, $0x38;
	[tilespmem:$0x19E00] =	vst v63  }
0x286: {  	s13 =	sadd.s32 $0x17D98, s5;
	s14 =	sadd.s32 $0x30, s12  }
0x287: {  	[hbm4b:s14+s3] =	stream.linear.scatter [tilespmem:s13], [sflag:$0x8], $0x80, $0x38;
	[tilespmem:$0x19E00] =	vst v63  }
0x288: {  	s13 =	sadd.s32 $0x17E20, s5;
	s14 =	sadd.s32 $0x40, s12  }
0x289: {  	[hbm4b:s14+s3] =	stream.linear.scatter [tilespmem:s13], [sflag:$0x8], $0x80, $0x38;
	[tilespmem:$0x19E00] =	vst v63  }
.Ltmp9:
0x28a: {  	s13 =	sadd.s32 $0x17EA8, s5;
	s14 =	sadd.s32 $0x50, s12;
	(pc) =	sbr.rel @p0 .LBB2_17-.Ltmp9, $4  }
0x28b: {  	[hbm4b:s14+s3] =	stream.linear.scatter [tilespmem:s13], [sflag:$0x8], $0x80, $0x38;
	[tilespmem:$0x19E00] =	vst v63  }
0x28c: {  	s15 =	sadd.s32 $0x70, s12;
	s13 =	sadd.s32 $0x17F30, s5;
	s14 =	sadd.s32 $0x60, s12  }
0x28d: {  	[hbm4b:s14+s3] =	stream.linear.scatter [tilespmem:s13], [sflag:$0x8], $0x80, $0x38;
	[tilespmem:$0x19E00] =	vst v63  }
0x28e: {  	s12 =	sadd.s32 $0x1000, s12;
	s14 =	sadd.s32 $0x17FB8, s5;
	s13 =	smov.u32 s6  }
0x28f: {  	[hbm4b:s15+s3] =	stream.linear.scatter [tilespmem:s14], [sflag:$0x8], $0x80, $0x38;
	[tilespmem:$0x19E00] =	vst v63  }
0x290: {  	s5 =	sadd.s32 $0x17C00, s10  }
0x291: {  	[hbm4b:s12+s3] =	stream.linear.scatter [tilespmem:s5], [sflag:$0x8], $0x80, $0x38;
	[tilespmem:$0x19E00] =	vst v63  }
0x292: {  	s17 =	sadd.s32 $0x17C88, s10;
	s6 =	sadd.s32 $0x10, s12  }
0x293: {  	[hbm4b:s6+s3] =	stream.linear.scatter [tilespmem:s17], [sflag:$0x8], $0x80, $0x38;
	[tilespmem:$0x19E00] =	vst v63  }
0x294: {  	s13 =	sadd.s32 $0x20, s12;
	s6 =	sadd.s32 $0x17D10, s10  }
0x295: {  	[hbm4b:s13+s3] =	stream.linear.scatter [tilespmem:s6], [sflag:$0x8], $0x80, $0x38;
	[tilespmem:$0x19E00] =	vst v63  }
0x296: {  	s14 =	sadd.s32 $0x17D98, s10;
	s15 =	sadd.s32 $0x30, s12  }
0x297: {  	[hbm4b:s15+s3] =	stream.linear.scatter [tilespmem:s14], [sflag:$0x8], $0x80, $0x38;
	[tilespmem:$0x19E00] =	vst v63  }
0x298: {  	s16 =	sadd.s32 $0x17E20, s10;
	s17 =	sadd.s32 $0x40, s12  }
0x299: {  	[hbm4b:s17+s3] =	stream.linear.scatter [tilespmem:s16], [sflag:$0x8], $0x80, $0x38;
	[tilespmem:$0x19E00] =	vst v63  }
0x29a: {  	s6 =	sadd.s32 $0x17EA8, s10;
	s13 =	sadd.s32 $0x50, s12  }
0x29b: {  	[hbm4b:s13+s3] =	stream.linear.scatter [tilespmem:s6], [sflag:$0x8], $0x80, $0x38;
	[tilespmem:$0x19E00] =	vst v63  }
.Ltmp10:
0x29c: {  	_ = 	snop;
	(pc) =	sbr.rel @p1 .LBB2_20-.Ltmp10, $4  }
0x29d: {  	s14 =	sadd.s32 $0x17F30, s10;
	s15 =	sadd.s32 $0x60, s12  }
0x29e: {  	[hbm4b:s15+s3] =	stream.linear.scatter [tilespmem:s14], [sflag:$0x8], $0x80, $0x38;
	[tilespmem:$0x19E00] =	vst v63  }
0x29f: {  	s16 =	sadd.s32 $0x17FB8, s10;
	s17 =	sadd.s32 $0x70, s12  }
0x2a0: {  	[hbm4b:s17+s3] =	stream.linear.scatter [tilespmem:s16], [sflag:$0x8], $0x80, $0x38;
	[tilespmem:$0x19E00] =	vst v63  }
.Ltmp11:
0x2a1: {  	(pc) =	sbr.rel .LBB2_2-.Ltmp11, $4  }
0x2a2: {  	s5 =	sshll.u32 s1, $0x9  }
0x2a3: {  	s5 =	sand.u32 $0x3FFFFE00, s5  }
0x2a4: {  	s1 =	sadd.s32 $0x1, s1;
	s5 =	sadd.s32 $0x380, s5  }
0x2a5: {  	[tilespmem:s18], [sflag:$0x4] =	stream.indirect.gather [hbm4b:s4+s9], $0x40, s5, s9, $0xb8;
	[tilespmem:$0x19E00] =	vst v63  }
.LBB2_21:
0x2a6: {  	_ =	sfence.sel $0x180000  }
0x2a7: {  	[bflag:$0x0] =	sbarrier.arrive $0xFFFF  }
0x2a8: {  	_ =	strace $0x90000047  }
0x2a9: {  	s0 =	stileid.u32;
	[bflag:$0x2] =	sbarrier.arrive $0xFFFF  }
0x2aa: {  	p0 =	sne.s32 s0, $0x0;
	s0 =	rddreg [dreg:$0x2]  }
0x2ab: {  	s0 =	sadd.s32 @!p0 $0x100000, s0  }
0x2ac: {  	[sflag:s0] =	ssyncadd.tile.s32 @!p0 $0x1;
	_ =	shalt  }
.Lfunc_end2:
_tile_overlayer_lowered:
.L_overlay_start_2:
0x2ad: {  	(tag) =	ssettag $0x2  }
0x2ae: {  	s0 =	rddreg [dreg:$0x0];
	s2 =	stileid.u32  }
0x2af: {  	s1 =	rddreg [dreg:$0x1];
	p0 =	sne.s32 s2, $0x0  }
0x2b0: {  	s3 =	rddreg [dreg:$0x2];
	[bflag:$0x3] =	sbarrier.arrive $0xFFFF;
	s2 =	simm.s32 @!p0 $0x1C09  }
0x2b1: {  	[timem:s3], [sflag:s2] =	dma.local @!p0 [hbm:s0], s1  }
0x2b2: {  	s0 =	simm.s32 @!p0 $0x9  }
0x2b3: {  	_ =	swait.ge @!p0 [sflag:s0], s1  }
0x2b4: {  	s1 =	ssub.s32 @!p0 $0x0, s1;
	[sflag:s0] =	ssyncset.done @!p0 $0x0  }
0x2b5: {  	[sflag:s0] =	ssyncadd.s32 @!p0 s1  }
0x2b6: {  	[bflag:$0x3] =	sbarrier.arrive $0xFFFF  }
0x2b7: {  	_ =	shalt  }

</sc_bundles>
